<compile_context>
chip_gen: v7x
topology: tpu7x:2x2x1
jax: 0.10.2.dev20260603
libtpu: 0.0.44.dev20260713+nightly
codegen_flags: <defaults>
</compile_context>

<pallas_src>
import functools

import jax
import jax.numpy as jnp
from jax import lax
from jax.experimental import pallas as pl
from jax.experimental.pallas import tpu as pltpu
from jax.experimental.pallas import tpu_sc as plsc

NUM_EMB = 1000000
BATCH = 16384
QLEN = 50
LPAD = 56
DIM = 16
OUT = 128
BLP = BATCH * LPAD
G = 128
K = 8
CHUNK_ROWS = K * G
TBLK = 1024
WBLK = 8192
TGRID = -(-NUM_EMB // WBLK)
VPAD = TGRID * WBLK


def _relayout_body(x_ref, o_ref):
    x = x_ref[...]
    for j in range(WBLK // TBLK):
        xj = x[:, TBLK * j:TBLK * (j + 1)]
        xh = xj.reshape(DIM, 8, 128).swapaxes(0, 1).reshape(128, 128)
        o_ref[128 * j:128 * (j + 1), :] = xh.T


def _tc_relayout(t_t):
    return pl.pallas_call(
        _relayout_body,
        grid=(TGRID,),
        in_specs=[pl.BlockSpec((DIM, WBLK), lambda i: (0, i))],
        out_specs=pl.BlockSpec((WBLK // 8, 128), lambda i: (i, 0)),
        out_shape=jax.ShapeDtypeStruct((VPAD // 8, 128), jnp.float32),
    )(t_t)


def _permute_idx(v):
    return (v & ~(TBLK - 1)) + ((v & 127) << 3) + ((v >> 7) & 7)


def _sc_gather(q2, table):
    info = plsc.get_sparse_core_info()
    nc, ns = info.num_cores, info.num_subcores
    nw = nc * ns
    qrows_per_w = q2.shape[0] // nw
    chunks = qrows_per_w // K

    mesh = plsc.VectorSubcoreMesh(core_axis_name="c", subcore_axis_name="s")

    @functools.partial(
        pl.kernel,
        mesh=mesh,
        compiler_params=pltpu.CompilerParams(use_tc_tiling_on_sc=False),
        out_type=jax.ShapeDtypeStruct((q2.shape[0] * G, DIM), jnp.float32),
        scratch_types=[
            pltpu.VMEM((2, K, G), jnp.int32),
            pltpu.VMEM((2, CHUNK_ROWS, DIM), jnp.float32),
            pltpu.SemaphoreType.DMA,
            pltpu.SemaphoreType.DMA,
        ],
    )
    def gk(q_hbm, t_hbm, out_hbm, idx_v, rows_v, sem0, sem1):
        sems = (sem0, sem1)
        wid = lax.axis_index("s") * nc + lax.axis_index("c")
        base = wid * qrows_per_w

        def fire(c, buf):
            pltpu.sync_copy(q_hbm.at[pl.ds(base + c * K, K)], idx_v.at[buf])
            for j in range(K):
                pltpu.async_copy(
                    t_hbm.at[idx_v.at[buf].at[j]],
                    rows_v.at[buf].at[pl.ds(j * G, G)],
                    sems[buf],
                )

        def drain_write(c, buf):
            pltpu.make_async_copy(
                t_hbm.at[pl.ds(0, CHUNK_ROWS)], rows_v.at[buf], sems[buf]
            ).wait()
            pltpu.sync_copy(
                rows_v.at[buf],
                out_hbm.at[pl.ds((base + c * K) * G, CHUNK_ROWS)],
            )

        fire(0, 0)

        @pl.loop(0, chunks - 2, step=2)
        def _pair(c):
            fire(c + 1, 1)
            drain_write(c, 0)
            fire(c + 2, 0)
            drain_write(c + 1, 1)

        fire(chunks - 1, 1)
        drain_write(chunks - 2, 0)
        drain_write(chunks - 1, 1)

    return gk(q2, table)


def _mm_body(x_ref, w_ref, b_ref, o_ref):
    x = x_ref[...].reshape(1024, LPAD * DIM // 128, 128).reshape(1024, LPAD * DIM)
    o_ref[...] = (
        lax.dot_general(
            x,
            w_ref[...],
            dimension_numbers=(((1,), (1,)), ((), ())),
            preferred_element_type=jnp.float32,
        )
        + b_ref[...]
    )


def _tc_matmul(x128, w_pad, b2):
    bm = 1024
    kp = LPAD * DIM
    nb = x128.shape[0] * 128 // kp
    return pl.pallas_call(
        _mm_body,
        grid=(nb // bm,),
        in_specs=[
            pl.BlockSpec((bm * kp // 128, 128), lambda i: (i, 0)),
            pl.BlockSpec((OUT, kp), lambda i: (0, 0)),
            pl.BlockSpec((1, OUT), lambda i: (0, 0)),
        ],
        out_specs=pl.BlockSpec((bm, OUT), lambda i: (i, 0)),
        out_shape=jax.ShapeDtypeStruct((nb, OUT), jnp.float32),
    )(x128, w_pad, b2)


NSLICE = 1


def kernel(question, table, W, b):
    t2 = _tc_relayout(table.T).reshape(VPAD, DIM)
    pq = _permute_idx(question)
    qp = jnp.concatenate([pq, pq[:, : LPAD - QLEN]], axis=1)
    q2 = qp.reshape(BLP // G, G)
    w_pad = jnp.pad(W, ((0, 0), (0, LPAD * DIM - QLEN * DIM)))
    b2 = b.reshape(1, OUT)
    nrows = q2.shape[0] // NSLICE
    outs = []
    for h in range(NSLICE):
        gathered = _sc_gather(q2[h * nrows:(h + 1) * nrows], t2)
        x128 = gathered.reshape(nrows * G // 8, 128)
        outs.append(_tc_matmul(x128, w_pad, b2))
    return jnp.concatenate(outs, axis=0)

# --- scband reference (transcript-rebuilt; emitter-appended) ---
"""Pipeline reference for scband-question-module-5574867550429 (READ-ONLY COPY).

The authoritative reference and input builder live on the scoring server;
editing this copy changes nothing except your own understanding.
"""

import jax, jax.numpy as jnp
import numpy as np

NUM_EMBEDDINGS = 1000000
EMBEDDING_DIM = 16
QUESTION_LEN = 50
OUTPUT_SIZE = 128
BATCH = 16384
INPUT_SIZE = QUESTION_LEN * EMBEDDING_DIM  # 800


def setup_inputs(seed: int = 0) -> dict:
    key = jax.random.key(seed)
    k1, k2, k3 = jax.random.split(key, 3)
    question = jax.random.randint(k1, (BATCH, QUESTION_LEN), 0, NUM_EMBEDDINGS, dtype=jnp.int64 if jax.config.jax_enable_x64 else jnp.int32).astype(jnp.int32)
    # nn.Embedding default init: N(0, 1)
    table = jax.random.normal(k2, (NUM_EMBEDDINGS, EMBEDDING_DIM), dtype=jnp.float32)
    # nn.Linear default init: U(-1/sqrt(in), 1/sqrt(in))
    bound = 1.0 / np.sqrt(INPUT_SIZE)
    kW, kb = jax.random.split(k3)
    W = jax.random.uniform(kW, (OUTPUT_SIZE, INPUT_SIZE), minval=-bound, maxval=bound, dtype=jnp.float32)
    b = jax.random.uniform(kb, (OUTPUT_SIZE,), minval=-bound, maxval=bound, dtype=jnp.float32)
    return {"question": question, "table": table, "W": W, "b": b}


def reference(question, table, W, b):
    batch_size = question.shape[0]
    out = jnp.take(table, question, axis=0)          # [B, L, D] embedding lookup
    out = out.reshape(batch_size, -1)                # [B, L*D]
    out = out @ W.T + b                              # [B, OUTPUT_SIZE]
    return out

if __name__ == "__main__":
    import jax
    _d = setup_inputs()
    print(jax.jit(kernel)(*tuple(_d.values())))

</pallas_src>

<mosaic_0001>
#map = affine_map<(d0, d1) -> (0, 0)>
module attributes {stable_mosaic.version = 14 : i64} {
  func.func @gk(%arg0: i32, %arg1: i32, %arg2: memref<7168x128xi32, #tpu.memory_space<hbm>>, %arg3: memref<1007616x16xf32, #tpu.memory_space<hbm>>, %arg4: memref<917504x16xf32, #tpu.memory_space<hbm>>, %arg5: memref<2x8x128xi32, #tpu.memory_space<vmem>>, %arg6: memref<2x1024x16xf32, #tpu.memory_space<vmem>>, %arg7: memref<!tpu.dma_semaphore, #tpu.memory_space<semaphore_mem>>, %arg8: memref<!tpu.dma_semaphore, #tpu.memory_space<semaphore_mem>>) attributes {dimension_semantics = [#tpu.dimension_semantics<core_parallel>, #tpu.dimension_semantics<subcore_parallel>], iteration_bounds = array<i64: 2, 16>, scalar_prefetch = 0 : i64, scratch_operands = 4 : i64, tpu.core_type = #tpu.core_type<sc_vector_subcore>, window_params = [{transform_indices = #map}, {transform_indices = #map}, {transform_indices = #map}]} {
    %mul3A = arith.constant 2 : i32
    %mul3A_0 = arith.muli %arg1, %mul3A : i32
    %add3A = arith.addi %mul3A_0, %arg0 : i32
    %mul3A_1 = arith.constant 224 : i32
    %mul3A_2 = arith.muli %add3A, %mul3A_1 : i32
    %add3A_3 = arith.constant 0 : i32
    %add3A_4 = arith.addi %mul3A_2, %add3A_3 : i32
    %run_scoped3A = arith.constant 0 : i32
    "tpu.region"() ({
      %run_scoped3A_370 = tpu.sem_alloc : memref<!tpu.dma_semaphore, #tpu.memory_space<semaphore_mem>>
      %dma_start3A_371 = arith.constant 0 : i32
      %dma_start3A_372 = arith.constant 0 : i32
      %dma_start3A_373 = tpu.memref_slice %arg5[%run_scoped3A, %dma_start3A_371, %dma_start3A_372] : memref<2x8x128xi32, #tpu.memory_space<vmem>> -> memref<1x8x128xi32, #tpu.memory_space<vmem>>
      %dma_start3A_374 = tpu.memref_squeeze %dma_start3A_373 : memref<1x8x128xi32, #tpu.memory_space<vmem>> -> memref<8x128xi32, #tpu.memory_space<vmem>>
      %dma_start3A_375 = arith.constant 0 : i32
      %dma_start3A_376 = tpu.memref_slice %arg2[%add3A_4, %dma_start3A_375] : memref<7168x128xi32, #tpu.memory_space<hbm>> -> memref<8x128xi32, #tpu.memory_space<hbm>>
      %dma_start3A_377 = arith.constant 0 : i32
      %dma_start3A_378 = arith.constant 0 : i32
      %dma_start3A_379 = tpu.memref_slice %arg5[%run_scoped3A, %dma_start3A_377, %dma_start3A_378] : memref<2x8x128xi32, #tpu.memory_space<vmem>> -> memref<1x8x128xi32, #tpu.memory_space<vmem>>
      %dma_start3A_380 = tpu.memref_squeeze %dma_start3A_379 : memref<1x8x128xi32, #tpu.memory_space<vmem>> -> memref<8x128xi32, #tpu.memory_space<vmem>>
      %dma_start3A_381 = arith.constant 0 : i32
      %dma_start3A_382 = tpu.memref_slice %arg2[%add3A_4, %dma_start3A_381] : memref<7168x128xi32, #tpu.memory_space<hbm>> -> memref<8x128xi32, #tpu.memory_space<hbm>>
      tpu.enqueue_dma source(%dma_start3A_382 : memref<8x128xi32, #tpu.memory_space<hbm>>) target(%dma_start3A_380 : memref<8x128xi32, #tpu.memory_space<vmem>>) target_semaphore(%run_scoped3A_370 : memref<!tpu.dma_semaphore, #tpu.memory_space<semaphore_mem>>)
      %dma_wait3A_383 = arith.constant 0 : i32
      %dma_wait3A_384 = arith.constant 0 : i32
      %dma_wait3A_385 = tpu.memref_slice %arg5[%run_scoped3A, %dma_wait3A_383, %dma_wait3A_384] : memref<2x8x128xi32, #tpu.memory_space<vmem>> -> memref<1x8x128xi32, #tpu.memory_space<vmem>>
      %dma_wait3A_386 = tpu.memref_squeeze %dma_wait3A_385 : memref<1x8x128xi32, #tpu.memory_space<vmem>> -> memref<8x128xi32, #tpu.memory_space<vmem>>
      %dma_wait3A_387 = arith.constant 0 : i32
      %dma_wait3A_388 = tpu.memref_slice %arg2[%add3A_4, %dma_wait3A_387] : memref<7168x128xi32, #tpu.memory_space<hbm>> -> memref<8x128xi32, #tpu.memory_space<hbm>>
      %dma_wait3A_389 = arith.constant 0 : i32
      %dma_wait3A_390 = arith.constant 0 : i32
      %dma_wait3A_391 = tpu.memref_slice %arg5[%run_scoped3A, %dma_wait3A_389, %dma_wait3A_390] : memref<2x8x128xi32, #tpu.memory_space<vmem>> -> memref<1x8x128xi32, #tpu.memory_space<vmem>>
      %dma_wait3A_392 = tpu.memref_squeeze %dma_wait3A_391 : memref<1x8x128xi32, #tpu.memory_space<vmem>> -> memref<8x128xi32, #tpu.memory_space<vmem>>
      %dma_wait3A_393 = arith.constant 0 : i32
      %dma_wait3A_394 = tpu.memref_slice %arg2[%add3A_4, %dma_wait3A_393] : memref<7168x128xi32, #tpu.memory_space<hbm>> -> memref<8x128xi32, #tpu.memory_space<hbm>>
      tpu.wait_dma2 semaphore(%run_scoped3A_370 : memref<!tpu.dma_semaphore, #tpu.memory_space<semaphore_mem>>) src(%dma_wait3A_394 : memref<8x128xi32, #tpu.memory_space<hbm>>) dst(%dma_wait3A_392 : memref<8x128xi32, #tpu.memory_space<vmem>>)
      tpu.yield
    }) : () -> ()
    %dma_start3A = arith.constant 0 : i32
    %dma_start3A_5 = arith.constant 0 : i32
    %dma_start3A_6 = arith.constant 0 : i32
    %dma_start3A_7 = arith.constant 0 : i32
    %dma_start3A_8 = arith.constant 0 : i32
    %dma_start3A_9 = tpu.memref_slice %arg6[%dma_start3A_6, %dma_start3A_7, %dma_start3A_8] : memref<2x1024x16xf32, #tpu.memory_space<vmem>> -> memref<1x1024x16xf32, #tpu.memory_space<vmem>>
    %dma_start3A_10 = tpu.memref_squeeze %dma_start3A_9 : memref<1x1024x16xf32, #tpu.memory_space<vmem>> -> memref<1024x16xf32, #tpu.memory_space<vmem>>
    %dma_start3A_11 = arith.constant 0 : i32
    %dma_start3A_12 = arith.constant 0 : i32
    %dma_start3A_13 = tpu.memref_slice %dma_start3A_10[%dma_start3A_11, %dma_start3A_12] : memref<1024x16xf32, #tpu.memory_space<vmem>> -> memref<128x16xf32, #tpu.memory_space<vmem>>
    %dma_start3A_14 = arith.constant 0 : i32
    %dma_start3A_15 = arith.constant 0 : i32
    %dma_start3A_16 = tpu.memref_slice %arg5[%dma_start3A, %dma_start3A_14, %dma_start3A_15] : memref<2x8x128xi32, #tpu.memory_space<vmem>> -> memref<1x8x128xi32, #tpu.memory_space<vmem>>
    %dma_start3A_17 = tpu.memref_squeeze %dma_start3A_16 : memref<1x8x128xi32, #tpu.memory_space<vmem>> -> memref<8x128xi32, #tpu.memory_space<vmem>>
    %dma_start3A_18 = arith.constant 0 : i32
    %dma_start3A_19 = tpu.memref_slice %dma_start3A_17[%dma_start3A_5, %dma_start3A_18] : memref<8x128xi32, #tpu.memory_space<vmem>> -> memref<1x128xi32, #tpu.memory_space<vmem>>
    %dma_start3A_20 = tpu.memref_squeeze %dma_start3A_19 : memref<1x128xi32, #tpu.memory_space<vmem>> -> memref<128xi32, #tpu.memory_space<vmem>>
    %dma_start3A_21 = arith.constant 0 : i32
    %dma_start3A_22 = arith.constant 0 : i32
    %dma_start3A_23 = tpu.memref_slice %arg3[%dma_start3A_21, %dma_start3A_22] : memref<1007616x16xf32, #tpu.memory_space<hbm>> -> memref<1007616x16xf32, #tpu.memory_space<hbm>>
    tpu.enqueue_indirect_dma source(%dma_start3A_23 : memref<1007616x16xf32, #tpu.memory_space<hbm>>) target(%dma_start3A_13 : memref<128x16xf32, #tpu.memory_space<vmem>>) offsets(%dma_start3A_20 : memref<128xi32, #tpu.memory_space<vmem>>) semaphore(%arg7 : memref<!tpu.dma_semaphore, #tpu.memory_space<semaphore_mem>>)
    %dma_start3A_24 = arith.constant 0 : i32
    %dma_start3A_25 = arith.constant 1 : i32
    %dma_start3A_26 = arith.constant 0 : i32
    %dma_start3A_27 = arith.constant 0 : i32
    %dma_start3A_28 = arith.constant 0 : i32
    %dma_start3A_29 = tpu.memref_slice %arg6[%dma_start3A_26, %dma_start3A_27, %dma_start3A_28] : memref<2x1024x16xf32, #tpu.memory_space<vmem>> -> memref<1x1024x16xf32, #tpu.memory_space<vmem>>
    %dma_start3A_30 = tpu.memref_squeeze %dma_start3A_29 : memref<1x1024x16xf32, #tpu.memory_space<vmem>> -> memref<1024x16xf32, #tpu.memory_space<vmem>>
    %dma_start3A_31 = arith.constant 128 : i32
    %dma_start3A_32 = arith.constant 0 : i32
    %dma_start3A_33 = tpu.memref_slice %dma_start3A_30[%dma_start3A_31, %dma_start3A_32] : memref<1024x16xf32, #tpu.memory_space<vmem>> -> memref<128x16xf32, #tpu.memory_space<vmem>>
    %dma_start3A_34 = arith.constant 0 : i32
    %dma_start3A_35 = arith.constant 0 : i32
    %dma_start3A_36 = tpu.memref_slice %arg5[%dma_start3A_24, %dma_start3A_34, %dma_start3A_35] : memref<2x8x128xi32, #tpu.memory_space<vmem>> -> memref<1x8x128xi32, #tpu.memory_space<vmem>>
    %dma_start3A_37 = tpu.memref_squeeze %dma_start3A_36 : memref<1x8x128xi32, #tpu.memory_space<vmem>> -> memref<8x128xi32, #tpu.memory_space<vmem>>
    %dma_start3A_38 = arith.constant 0 : i32
    %dma_start3A_39 = tpu.memref_slice %dma_start3A_37[%dma_start3A_25, %dma_start3A_38] : memref<8x128xi32, #tpu.memory_space<vmem>> -> memref<1x128xi32, #tpu.memory_space<vmem>>
    %dma_start3A_40 = tpu.memref_squeeze %dma_start3A_39 : memref<1x128xi32, #tpu.memory_space<vmem>> -> memref<128xi32, #tpu.memory_space<vmem>>
    %dma_start3A_41 = arith.constant 0 : i32
    %dma_start3A_42 = arith.constant 0 : i32
    %dma_start3A_43 = tpu.memref_slice %arg3[%dma_start3A_41, %dma_start3A_42] : memref<1007616x16xf32, #tpu.memory_space<hbm>> -> memref<1007616x16xf32, #tpu.memory_space<hbm>>
    tpu.enqueue_indirect_dma source(%dma_start3A_43 : memref<1007616x16xf32, #tpu.memory_space<hbm>>) target(%dma_start3A_33 : memref<128x16xf32, #tpu.memory_space<vmem>>) offsets(%dma_start3A_40 : memref<128xi32, #tpu.memory_space<vmem>>) semaphore(%arg7 : memref<!tpu.dma_semaphore, #tpu.memory_space<semaphore_mem>>)
    %dma_start3A_44 = arith.constant 0 : i32
    %dma_start3A_45 = arith.constant 2 : i32
    %dma_start3A_46 = arith.constant 0 : i32
    %dma_start3A_47 = arith.constant 0 : i32
    %dma_start3A_48 = arith.constant 0 : i32
    %dma_start3A_49 = tpu.memref_slice %arg6[%dma_start3A_46, %dma_start3A_47, %dma_start3A_48] : memref<2x1024x16xf32, #tpu.memory_space<vmem>> -> memref<1x1024x16xf32, #tpu.memory_space<vmem>>
    %dma_start3A_50 = tpu.memref_squeeze %dma_start3A_49 : memref<1x1024x16xf32, #tpu.memory_space<vmem>> -> memref<1024x16xf32, #tpu.memory_space<vmem>>
    %dma_start3A_51 = arith.constant 256 : i32
    %dma_start3A_52 = arith.constant 0 : i32
    %dma_start3A_53 = tpu.memref_slice %dma_start3A_50[%dma_start3A_51, %dma_start3A_52] : memref<1024x16xf32, #tpu.memory_space<vmem>> -> memref<128x16xf32, #tpu.memory_space<vmem>>
    %dma_start3A_54 = arith.constant 0 : i32
    %dma_start3A_55 = arith.constant 0 : i32
    %dma_start3A_56 = tpu.memref_slice %arg5[%dma_start3A_44, %dma_start3A_54, %dma_start3A_55] : memref<2x8x128xi32, #tpu.memory_space<vmem>> -> memref<1x8x128xi32, #tpu.memory_space<vmem>>
    %dma_start3A_57 = tpu.memref_squeeze %dma_start3A_56 : memref<1x8x128xi32, #tpu.memory_space<vmem>> -> memref<8x128xi32, #tpu.memory_space<vmem>>
    %dma_start3A_58 = arith.constant 0 : i32
    %dma_start3A_59 = tpu.memref_slice %dma_start3A_57[%dma_start3A_45, %dma_start3A_58] : memref<8x128xi32, #tpu.memory_space<vmem>> -> memref<1x128xi32, #tpu.memory_space<vmem>>
    %dma_start3A_60 = tpu.memref_squeeze %dma_start3A_59 : memref<1x128xi32, #tpu.memory_space<vmem>> -> memref<128xi32, #tpu.memory_space<vmem>>
    %dma_start3A_61 = arith.constant 0 : i32
    %dma_start3A_62 = arith.constant 0 : i32
    %dma_start3A_63 = tpu.memref_slice %arg3[%dma_start3A_61, %dma_start3A_62] : memref<1007616x16xf32, #tpu.memory_space<hbm>> -> memref<1007616x16xf32, #tpu.memory_space<hbm>>
    tpu.enqueue_indirect_dma source(%dma_start3A_63 : memref<1007616x16xf32, #tpu.memory_space<hbm>>) target(%dma_start3A_53 : memref<128x16xf32, #tpu.memory_space<vmem>>) offsets(%dma_start3A_60 : memref<128xi32, #tpu.memory_space<vmem>>) semaphore(%arg7 : memref<!tpu.dma_semaphore, #tpu.memory_space<semaphore_mem>>)
    %dma_start3A_64 = arith.constant 0 : i32
    %dma_start3A_65 = arith.constant 3 : i32
    %dma_start3A_66 = arith.constant 0 : i32
    %dma_start3A_67 = arith.constant 0 : i32
    %dma_start3A_68 = arith.constant 0 : i32
    %dma_start3A_69 = tpu.memref_slice %arg6[%dma_start3A_66, %dma_start3A_67, %dma_start3A_68] : memref<2x1024x16xf32, #tpu.memory_space<vmem>> -> memref<1x1024x16xf32, #tpu.memory_space<vmem>>
    %dma_start3A_70 = tpu.memref_squeeze %dma_start3A_69 : memref<1x1024x16xf32, #tpu.memory_space<vmem>> -> memref<1024x16xf32, #tpu.memory_space<vmem>>
    %dma_start3A_71 = arith.constant 384 : i32
    %dma_start3A_72 = arith.constant 0 : i32
    %dma_start3A_73 = tpu.memref_slice %dma_start3A_70[%dma_start3A_71, %dma_start3A_72] : memref<1024x16xf32, #tpu.memory_space<vmem>> -> memref<128x16xf32, #tpu.memory_space<vmem>>
    %dma_start3A_74 = arith.constant 0 : i32
    %dma_start3A_75 = arith.constant 0 : i32
    %dma_start3A_76 = tpu.memref_slice %arg5[%dma_start3A_64, %dma_start3A_74, %dma_start3A_75] : memref<2x8x128xi32, #tpu.memory_space<vmem>> -> memref<1x8x128xi32, #tpu.memory_space<vmem>>
    %dma_start3A_77 = tpu.memref_squeeze %dma_start3A_76 : memref<1x8x128xi32, #tpu.memory_space<vmem>> -> memref<8x128xi32, #tpu.memory_space<vmem>>
    %dma_start3A_78 = arith.constant 0 : i32
    %dma_start3A_79 = tpu.memref_slice %dma_start3A_77[%dma_start3A_65, %dma_start3A_78] : memref<8x128xi32, #tpu.memory_space<vmem>> -> memref<1x128xi32, #tpu.memory_space<vmem>>
    %dma_start3A_80 = tpu.memref_squeeze %dma_start3A_79 : memref<1x128xi32, #tpu.memory_space<vmem>> -> memref<128xi32, #tpu.memory_space<vmem>>
    %dma_start3A_81 = arith.constant 0 : i32
    %dma_start3A_82 = arith.constant 0 : i32
    %dma_start3A_83 = tpu.memref_slice %arg3[%dma_start3A_81, %dma_start3A_82] : memref<1007616x16xf32, #tpu.memory_space<hbm>> -> memref<1007616x16xf32, #tpu.memory_space<hbm>>
    tpu.enqueue_indirect_dma source(%dma_start3A_83 : memref<1007616x16xf32, #tpu.memory_space<hbm>>) target(%dma_start3A_73 : memref<128x16xf32, #tpu.memory_space<vmem>>) offsets(%dma_start3A_80 : memref<128xi32, #tpu.memory_space<vmem>>) semaphore(%arg7 : memref<!tpu.dma_semaphore, #tpu.memory_space<semaphore_mem>>)
    %dma_start3A_84 = arith.constant 0 : i32
    %dma_start3A_85 = arith.constant 4 : i32
    %dma_start3A_86 = arith.constant 0 : i32
    %dma_start3A_87 = arith.constant 0 : i32
    %dma_start3A_88 = arith.constant 0 : i32
    %dma_start3A_89 = tpu.memref_slice %arg6[%dma_start3A_86, %dma_start3A_87, %dma_start3A_88] : memref<2x1024x16xf32, #tpu.memory_space<vmem>> -> memref<1x1024x16xf32, #tpu.memory_space<vmem>>
    %dma_start3A_90 = tpu.memref_squeeze %dma_start3A_89 : memref<1x1024x16xf32, #tpu.memory_space<vmem>> -> memref<1024x16xf32, #tpu.memory_space<vmem>>
    %dma_start3A_91 = arith.constant 512 : i32
    %dma_start3A_92 = arith.constant 0 : i32
    %dma_start3A_93 = tpu.memref_slice %dma_start3A_90[%dma_start3A_91, %dma_start3A_92] : memref<1024x16xf32, #tpu.memory_space<vmem>> -> memref<128x16xf32, #tpu.memory_space<vmem>>
    %dma_start3A_94 = arith.constant 0 : i32
    %dma_start3A_95 = arith.constant 0 : i32
    %dma_start3A_96 = tpu.memref_slice %arg5[%dma_start3A_84, %dma_start3A_94, %dma_start3A_95] : memref<2x8x128xi32, #tpu.memory_space<vmem>> -> memref<1x8x128xi32, #tpu.memory_space<vmem>>
    %dma_start3A_97 = tpu.memref_squeeze %dma_start3A_96 : memref<1x8x128xi32, #tpu.memory_space<vmem>> -> memref<8x128xi32, #tpu.memory_space<vmem>>
    %dma_start3A_98 = arith.constant 0 : i32
    %dma_start3A_99 = tpu.memref_slice %dma_start3A_97[%dma_start3A_85, %dma_start3A_98] : memref<8x128xi32, #tpu.memory_space<vmem>> -> memref<1x128xi32, #tpu.memory_space<vmem>>
    %dma_start3A_100 = tpu.memref_squeeze %dma_start3A_99 : memref<1x128xi32, #tpu.memory_space<vmem>> -> memref<128xi32, #tpu.memory_space<vmem>>
    %dma_start3A_101 = arith.constant 0 : i32
    %dma_start3A_102 = arith.constant 0 : i32
    %dma_start3A_103 = tpu.memref_slice %arg3[%dma_start3A_101, %dma_start3A_102] : memref<1007616x16xf32, #tpu.memory_space<hbm>> -> memref<1007616x16xf32, #tpu.memory_space<hbm>>
    tpu.enqueue_indirect_dma source(%dma_start3A_103 : memref<1007616x16xf32, #tpu.memory_space<hbm>>) target(%dma_start3A_93 : memref<128x16xf32, #tpu.memory_space<vmem>>) offsets(%dma_start3A_100 : memref<128xi32, #tpu.memory_space<vmem>>) semaphore(%arg7 : memref<!tpu.dma_semaphore, #tpu.memory_space<semaphore_mem>>)
    %dma_start3A_104 = arith.constant 0 : i32
    %dma_start3A_105 = arith.constant 5 : i32
    %dma_start3A_106 = arith.constant 0 : i32
    %dma_start3A_107 = arith.constant 0 : i32
    %dma_start3A_108 = arith.constant 0 : i32
    %dma_start3A_109 = tpu.memref_slice %arg6[%dma_start3A_106, %dma_start3A_107, %dma_start3A_108] : memref<2x1024x16xf32, #tpu.memory_space<vmem>> -> memref<1x1024x16xf32, #tpu.memory_space<vmem>>
    %dma_start3A_110 = tpu.memref_squeeze %dma_start3A_109 : memref<1x1024x16xf32, #tpu.memory_space<vmem>> -> memref<1024x16xf32, #tpu.memory_space<vmem>>
    %dma_start3A_111 = arith.constant 640 : i32
    %dma_start3A_112 = arith.constant 0 : i32
    %dma_start3A_113 = tpu.memref_slice %dma_start3A_110[%dma_start3A_111, %dma_start3A_112] : memref<1024x16xf32, #tpu.memory_space<vmem>> -> memref<128x16xf32, #tpu.memory_space<vmem>>
    %dma_start3A_114 = arith.constant 0 : i32
    %dma_start3A_115 = arith.constant 0 : i32
    %dma_start3A_116 = tpu.memref_slice %arg5[%dma_start3A_104, %dma_start3A_114, %dma_start3A_115] : memref<2x8x128xi32, #tpu.memory_space<vmem>> -> memref<1x8x128xi32, #tpu.memory_space<vmem>>
    %dma_start3A_117 = tpu.memref_squeeze %dma_start3A_116 : memref<1x8x128xi32, #tpu.memory_space<vmem>> -> memref<8x128xi32, #tpu.memory_space<vmem>>
    %dma_start3A_118 = arith.constant 0 : i32
    %dma_start3A_119 = tpu.memref_slice %dma_start3A_117[%dma_start3A_105, %dma_start3A_118] : memref<8x128xi32, #tpu.memory_space<vmem>> -> memref<1x128xi32, #tpu.memory_space<vmem>>
    %dma_start3A_120 = tpu.memref_squeeze %dma_start3A_119 : memref<1x128xi32, #tpu.memory_space<vmem>> -> memref<128xi32, #tpu.memory_space<vmem>>
    %dma_start3A_121 = arith.constant 0 : i32
    %dma_start3A_122 = arith.constant 0 : i32
    %dma_start3A_123 = tpu.memref_slice %arg3[%dma_start3A_121, %dma_start3A_122] : memref<1007616x16xf32, #tpu.memory_space<hbm>> -> memref<1007616x16xf32, #tpu.memory_space<hbm>>
    tpu.enqueue_indirect_dma source(%dma_start3A_123 : memref<1007616x16xf32, #tpu.memory_space<hbm>>) target(%dma_start3A_113 : memref<128x16xf32, #tpu.memory_space<vmem>>) offsets(%dma_start3A_120 : memref<128xi32, #tpu.memory_space<vmem>>) semaphore(%arg7 : memref<!tpu.dma_semaphore, #tpu.memory_space<semaphore_mem>>)
    %dma_start3A_124 = arith.constant 0 : i32
    %dma_start3A_125 = arith.constant 6 : i32
    %dma_start3A_126 = arith.constant 0 : i32
    %dma_start3A_127 = arith.constant 0 : i32
    %dma_start3A_128 = arith.constant 0 : i32
    %dma_start3A_129 = tpu.memref_slice %arg6[%dma_start3A_126, %dma_start3A_127, %dma_start3A_128] : memref<2x1024x16xf32, #tpu.memory_space<vmem>> -> memref<1x1024x16xf32, #tpu.memory_space<vmem>>
    %dma_start3A_130 = tpu.memref_squeeze %dma_start3A_129 : memref<1x1024x16xf32, #tpu.memory_space<vmem>> -> memref<1024x16xf32, #tpu.memory_space<vmem>>
    %dma_start3A_131 = arith.constant 768 : i32
    %dma_start3A_132 = arith.constant 0 : i32
    %dma_start3A_133 = tpu.memref_slice %dma_start3A_130[%dma_start3A_131, %dma_start3A_132] : memref<1024x16xf32, #tpu.memory_space<vmem>> -> memref<128x16xf32, #tpu.memory_space<vmem>>
    %dma_start3A_134 = arith.constant 0 : i32
    %dma_start3A_135 = arith.constant 0 : i32
    %dma_start3A_136 = tpu.memref_slice %arg5[%dma_start3A_124, %dma_start3A_134, %dma_start3A_135] : memref<2x8x128xi32, #tpu.memory_space<vmem>> -> memref<1x8x128xi32, #tpu.memory_space<vmem>>
    %dma_start3A_137 = tpu.memref_squeeze %dma_start3A_136 : memref<1x8x128xi32, #tpu.memory_space<vmem>> -> memref<8x128xi32, #tpu.memory_space<vmem>>
    %dma_start3A_138 = arith.constant 0 : i32
    %dma_start3A_139 = tpu.memref_slice %dma_start3A_137[%dma_start3A_125, %dma_start3A_138] : memref<8x128xi32, #tpu.memory_space<vmem>> -> memref<1x128xi32, #tpu.memory_space<vmem>>
    %dma_start3A_140 = tpu.memref_squeeze %dma_start3A_139 : memref<1x128xi32, #tpu.memory_space<vmem>> -> memref<128xi32, #tpu.memory_space<vmem>>
    %dma_start3A_141 = arith.constant 0 : i32
    %dma_start3A_142 = arith.constant 0 : i32
    %dma_start3A_143 = tpu.memref_slice %arg3[%dma_start3A_141, %dma_start3A_142] : memref<1007616x16xf32, #tpu.memory_space<hbm>> -> memref<1007616x16xf32, #tpu.memory_space<hbm>>
    tpu.enqueue_indirect_dma source(%dma_start3A_143 : memref<1007616x16xf32, #tpu.memory_space<hbm>>) target(%dma_start3A_133 : memref<128x16xf32, #tpu.memory_space<vmem>>) offsets(%dma_start3A_140 : memref<128xi32, #tpu.memory_space<vmem>>) semaphore(%arg7 : memref<!tpu.dma_semaphore, #tpu.memory_space<semaphore_mem>>)
    %dma_start3A_144 = arith.constant 0 : i32
    %dma_start3A_145 = arith.constant 7 : i32
    %dma_start3A_146 = arith.constant 0 : i32
    %dma_start3A_147 = arith.constant 0 : i32
    %dma_start3A_148 = arith.constant 0 : i32
    %dma_start3A_149 = tpu.memref_slice %arg6[%dma_start3A_146, %dma_start3A_147, %dma_start3A_148] : memref<2x1024x16xf32, #tpu.memory_space<vmem>> -> memref<1x1024x16xf32, #tpu.memory_space<vmem>>
    %dma_start3A_150 = tpu.memref_squeeze %dma_start3A_149 : memref<1x1024x16xf32, #tpu.memory_space<vmem>> -> memref<1024x16xf32, #tpu.memory_space<vmem>>
    %dma_start3A_151 = arith.constant 896 : i32
    %dma_start3A_152 = arith.constant 0 : i32
    %dma_start3A_153 = tpu.memref_slice %dma_start3A_150[%dma_start3A_151, %dma_start3A_152] : memref<1024x16xf32, #tpu.memory_space<vmem>> -> memref<128x16xf32, #tpu.memory_space<vmem>>
    %dma_start3A_154 = arith.constant 0 : i32
    %dma_start3A_155 = arith.constant 0 : i32
    %dma_start3A_156 = tpu.memref_slice %arg5[%dma_start3A_144, %dma_start3A_154, %dma_start3A_155] : memref<2x8x128xi32, #tpu.memory_space<vmem>> -> memref<1x8x128xi32, #tpu.memory_space<vmem>>
    %dma_start3A_157 = tpu.memref_squeeze %dma_start3A_156 : memref<1x8x128xi32, #tpu.memory_space<vmem>> -> memref<8x128xi32, #tpu.memory_space<vmem>>
    %dma_start3A_158 = arith.constant 0 : i32
    %dma_start3A_159 = tpu.memref_slice %dma_start3A_157[%dma_start3A_145, %dma_start3A_158] : memref<8x128xi32, #tpu.memory_space<vmem>> -> memref<1x128xi32, #tpu.memory_space<vmem>>
    %dma_start3A_160 = tpu.memref_squeeze %dma_start3A_159 : memref<1x128xi32, #tpu.memory_space<vmem>> -> memref<128xi32, #tpu.memory_space<vmem>>
    %dma_start3A_161 = arith.constant 0 : i32
    %dma_start3A_162 = arith.constant 0 : i32
    %dma_start3A_163 = tpu.memref_slice %arg3[%dma_start3A_161, %dma_start3A_162] : memref<1007616x16xf32, #tpu.memory_space<hbm>> -> memref<1007616x16xf32, #tpu.memory_space<hbm>>
    tpu.enqueue_indirect_dma source(%dma_start3A_163 : memref<1007616x16xf32, #tpu.memory_space<hbm>>) target(%dma_start3A_153 : memref<128x16xf32, #tpu.memory_space<vmem>>) offsets(%dma_start3A_160 : memref<128xi32, #tpu.memory_space<vmem>>) semaphore(%arg7 : memref<!tpu.dma_semaphore, #tpu.memory_space<semaphore_mem>>)
    %scan3A = arith.constant 0 : i32
    %scan3A_164 = arith.constant 13 : i32
    %scan3A_165 = arith.addi %scan3A, %scan3A_164 : i32
    %scan3A_166 = arith.constant 1 : i32
    scf.for %scan3A_370 = %scan3A to %scan3A_165 step %scan3A_166  : i32 {
      %mul3A_371 = arith.constant 2 : i32
      %mul3A_372 = arith.muli %scan3A_370, %mul3A_371 : i32
      %add3A_373 = arith.constant 0 : i32
      %add3A_374 = arith.addi %add3A_373, %mul3A_372 : i32
      %add3A_375 = arith.constant 1 : i32
      %add3A_376 = arith.addi %add3A_374, %add3A_375 : i32
      %mul3A_377 = arith.constant 8 : i32
      %mul3A_378 = arith.muli %add3A_376, %mul3A_377 : i32
      %add3A_379 = arith.addi %mul3A_2, %mul3A_378 : i32
      %run_scoped3A_380 = arith.constant 1 : i32
      "tpu.region"() ({
        %run_scoped3A_751 = tpu.sem_alloc : memref<!tpu.dma_semaphore, #tpu.memory_space<semaphore_mem>>
        %dma_start3A_752 = arith.constant 0 : i32
        %dma_start3A_753 = arith.constant 0 : i32
        %dma_start3A_754 = tpu.memref_slice %arg5[%run_scoped3A_380, %dma_start3A_752, %dma_start3A_753] : memref<2x8x128xi32, #tpu.memory_space<vmem>> -> memref<1x8x128xi32, #tpu.memory_space<vmem>>
        %dma_start3A_755 = tpu.memref_squeeze %dma_start3A_754 : memref<1x8x128xi32, #tpu.memory_space<vmem>> -> memref<8x128xi32, #tpu.memory_space<vmem>>
        %dma_start3A_756 = arith.constant 0 : i32
        %dma_start3A_757 = tpu.memref_slice %arg2[%add3A_379, %dma_start3A_756] : memref<7168x128xi32, #tpu.memory_space<hbm>> -> memref<8x128xi32, #tpu.memory_space<hbm>>
        %dma_start3A_758 = arith.constant 0 : i32
        %dma_start3A_759 = arith.constant 0 : i32
        %dma_start3A_760 = tpu.memref_slice %arg5[%run_scoped3A_380, %dma_start3A_758, %dma_start3A_759] : memref<2x8x128xi32, #tpu.memory_space<vmem>> -> memref<1x8x128xi32, #tpu.memory_space<vmem>>
        %dma_start3A_761 = tpu.memref_squeeze %dma_start3A_760 : memref<1x8x128xi32, #tpu.memory_space<vmem>> -> memref<8x128xi32, #tpu.memory_space<vmem>>
        %dma_start3A_762 = arith.constant 0 : i32
        %dma_start3A_763 = tpu.memref_slice %arg2[%add3A_379, %dma_start3A_762] : memref<7168x128xi32, #tpu.memory_space<hbm>> -> memref<8x128xi32, #tpu.memory_space<hbm>>
        tpu.enqueue_dma source(%dma_start3A_763 : memref<8x128xi32, #tpu.memory_space<hbm>>) target(%dma_start3A_761 : memref<8x128xi32, #tpu.memory_space<vmem>>) target_semaphore(%run_scoped3A_751 : memref<!tpu.dma_semaphore, #tpu.memory_space<semaphore_mem>>)
        %dma_wait3A_764 = arith.constant 0 : i32
        %dma_wait3A_765 = arith.constant 0 : i32
        %dma_wait3A_766 = tpu.memref_slice %arg5[%run_scoped3A_380, %dma_wait3A_764, %dma_wait3A_765] : memref<2x8x128xi32, #tpu.memory_space<vmem>> -> memref<1x8x128xi32, #tpu.memory_space<vmem>>
        %dma_wait3A_767 = tpu.memref_squeeze %dma_wait3A_766 : memref<1x8x128xi32, #tpu.memory_space<vmem>> -> memref<8x128xi32, #tpu.memory_space<vmem>>
        %dma_wait3A_768 = arith.constant 0 : i32
        %dma_wait3A_769 = tpu.memref_slice %arg2[%add3A_379, %dma_wait3A_768] : memref<7168x128xi32, #tpu.memory_space<hbm>> -> memref<8x128xi32, #tpu.memory_space<hbm>>
        %dma_wait3A_770 = arith.constant 0 : i32
        %dma_wait3A_771 = arith.constant 0 : i32
        %dma_wait3A_772 = tpu.memref_slice %arg5[%run_scoped3A_380, %dma_wait3A_770, %dma_wait3A_771] : memref<2x8x128xi32, #tpu.memory_space<vmem>> -> memref<1x8x128xi32, #tpu.memory_space<vmem>>
        %dma_wait3A_773 = tpu.memref_squeeze %dma_wait3A_772 : memref<1x8x128xi32, #tpu.memory_space<vmem>> -> memref<8x128xi32, #tpu.memory_space<vmem>>
        %dma_wait3A_774 = arith.constant 0 : i32
        %dma_wait3A_775 = tpu.memref_slice %arg2[%add3A_379, %dma_wait3A_774] : memref<7168x128xi32, #tpu.memory_space<hbm>> -> memref<8x128xi32, #tpu.memory_space<hbm>>
        tpu.wait_dma2 semaphore(%run_scoped3A_751 : memref<!tpu.dma_semaphore, #tpu.memory_space<semaphore_mem>>) src(%dma_wait3A_775 : memref<8x128xi32, #tpu.memory_space<hbm>>) dst(%dma_wait3A_773 : memref<8x128xi32, #tpu.memory_space<vmem>>)
        tpu.yield
      }) : () -> ()
      %dma_start3A_381 = arith.constant 1 : i32
      %dma_start3A_382 = arith.constant 0 : i32
      %dma_start3A_383 = arith.constant 1 : i32
      %dma_start3A_384 = arith.constant 0 : i32
      %dma_start3A_385 = arith.constant 0 : i32
      %dma_start3A_386 = tpu.memref_slice %arg6[%dma_start3A_383, %dma_start3A_384, %dma_start3A_385] : memref<2x1024x16xf32, #tpu.memory_space<vmem>> -> memref<1x1024x16xf32, #tpu.memory_space<vmem>>
      %dma_start3A_387 = tpu.memref_squeeze %dma_start3A_386 : memref<1x1024x16xf32, #tpu.memory_space<vmem>> -> memref<1024x16xf32, #tpu.memory_space<vmem>>
      %dma_start3A_388 = arith.constant 0 : i32
      %dma_start3A_389 = arith.constant 0 : i32
      %dma_start3A_390 = tpu.memref_slice %dma_start3A_387[%dma_start3A_388, %dma_start3A_389] : memref<1024x16xf32, #tpu.memory_space<vmem>> -> memref<128x16xf32, #tpu.memory_space<vmem>>
      %dma_start3A_391 = arith.constant 0 : i32
      %dma_start3A_392 = arith.constant 0 : i32
      %dma_start3A_393 = tpu.memref_slice %arg5[%dma_start3A_381, %dma_start3A_391, %dma_start3A_392] : memref<2x8x128xi32, #tpu.memory_space<vmem>> -> memref<1x8x128xi32, #tpu.memory_space<vmem>>
      %dma_start3A_394 = tpu.memref_squeeze %dma_start3A_393 : memref<1x8x128xi32, #tpu.memory_space<vmem>> -> memref<8x128xi32, #tpu.memory_space<vmem>>
      %dma_start3A_395 = arith.constant 0 : i32
      %dma_start3A_396 = tpu.memref_slice %dma_start3A_394[%dma_start3A_382, %dma_start3A_395] : memref<8x128xi32, #tpu.memory_space<vmem>> -> memref<1x128xi32, #tpu.memory_space<vmem>>
      %dma_start3A_397 = tpu.memref_squeeze %dma_start3A_396 : memref<1x128xi32, #tpu.memory_space<vmem>> -> memref<128xi32, #tpu.memory_space<vmem>>
      %dma_start3A_398 = arith.constant 0 : i32
      %dma_start3A_399 = arith.constant 0 : i32
      %dma_start3A_400 = tpu.memref_slice %arg3[%dma_start3A_398, %dma_start3A_399] : memref<1007616x16xf32, #tpu.memory_space<hbm>> -> memref<1007616x16xf32, #tpu.memory_space<hbm>>
      tpu.enqueue_indirect_dma source(%dma_start3A_400 : memref<1007616x16xf32, #tpu.memory_space<hbm>>) target(%dma_start3A_390 : memref<128x16xf32, #tpu.memory_space<vmem>>) offsets(%dma_start3A_397 : memref<128xi32, #tpu.memory_space<vmem>>) semaphore(%arg8 : memref<!tpu.dma_semaphore, #tpu.memory_space<semaphore_mem>>)
      %dma_start3A_401 = arith.constant 1 : i32
      %dma_start3A_402 = arith.constant 1 : i32
      %dma_start3A_403 = arith.constant 1 : i32
      %dma_start3A_404 = arith.constant 0 : i32
      %dma_start3A_405 = arith.constant 0 : i32
      %dma_start3A_406 = tpu.memref_slice %arg6[%dma_start3A_403, %dma_start3A_404, %dma_start3A_405] : memref<2x1024x16xf32, #tpu.memory_space<vmem>> -> memref<1x1024x16xf32, #tpu.memory_space<vmem>>
      %dma_start3A_407 = tpu.memref_squeeze %dma_start3A_406 : memref<1x1024x16xf32, #tpu.memory_space<vmem>> -> memref<1024x16xf32, #tpu.memory_space<vmem>>
      %dma_start3A_408 = arith.constant 128 : i32
      %dma_start3A_409 = arith.constant 0 : i32
      %dma_start3A_410 = tpu.memref_slice %dma_start3A_407[%dma_start3A_408, %dma_start3A_409] : memref<1024x16xf32, #tpu.memory_space<vmem>> -> memref<128x16xf32, #tpu.memory_space<vmem>>
      %dma_start3A_411 = arith.constant 0 : i32
      %dma_start3A_412 = arith.constant 0 : i32
      %dma_start3A_413 = tpu.memref_slice %arg5[%dma_start3A_401, %dma_start3A_411, %dma_start3A_412] : memref<2x8x128xi32, #tpu.memory_space<vmem>> -> memref<1x8x128xi32, #tpu.memory_space<vmem>>
      %dma_start3A_414 = tpu.memref_squeeze %dma_start3A_413 : memref<1x8x128xi32, #tpu.memory_space<vmem>> -> memref<8x128xi32, #tpu.memory_space<vmem>>
      %dma_start3A_415 = arith.constant 0 : i32
      %dma_start3A_416 = tpu.memref_slice %dma_start3A_414[%dma_start3A_402, %dma_start3A_415] : memref<8x128xi32, #tpu.memory_space<vmem>> -> memref<1x128xi32, #tpu.memory_space<vmem>>
      %dma_start3A_417 = tpu.memref_squeeze %dma_start3A_416 : memref<1x128xi32, #tpu.memory_space<vmem>> -> memref<128xi32, #tpu.memory_space<vmem>>
      %dma_start3A_418 = arith.constant 0 : i32
      %dma_start3A_419 = arith.constant 0 : i32
      %dma_start3A_420 = tpu.memref_slice %arg3[%dma_start3A_418, %dma_start3A_419] : memref<1007616x16xf32, #tpu.memory_space<hbm>> -> memref<1007616x16xf32, #tpu.memory_space<hbm>>
      tpu.enqueue_indirect_dma source(%dma_start3A_420 : memref<1007616x16xf32, #tpu.memory_space<hbm>>) target(%dma_start3A_410 : memref<128x16xf32, #tpu.memory_space<vmem>>) offsets(%dma_start3A_417 : memref<128xi32, #tpu.memory_space<vmem>>) semaphore(%arg8 : memref<!tpu.dma_semaphore, #tpu.memory_space<semaphore_mem>>)
      %dma_start3A_421 = arith.constant 1 : i32
      %dma_start3A_422 = arith.constant 2 : i32
      %dma_start3A_423 = arith.constant 1 : i32
      %dma_start3A_424 = arith.constant 0 : i32
      %dma_start3A_425 = arith.constant 0 : i32
      %dma_start3A_426 = tpu.memref_slice %arg6[%dma_start3A_423, %dma_start3A_424, %dma_start3A_425] : memref<2x1024x16xf32, #tpu.memory_space<vmem>> -> memref<1x1024x16xf32, #tpu.memory_space<vmem>>
      %dma_start3A_427 = tpu.memref_squeeze %dma_start3A_426 : memref<1x1024x16xf32, #tpu.memory_space<vmem>> -> memref<1024x16xf32, #tpu.memory_space<vmem>>
      %dma_start3A_428 = arith.constant 256 : i32
      %dma_start3A_429 = arith.constant 0 : i32
      %dma_start3A_430 = tpu.memref_slice %dma_start3A_427[%dma_start3A_428, %dma_start3A_429] : memref<1024x16xf32, #tpu.memory_space<vmem>> -> memref<128x16xf32, #tpu.memory_space<vmem>>
      %dma_start3A_431 = arith.constant 0 : i32
      %dma_start3A_432 = arith.constant 0 : i32
      %dma_start3A_433 = tpu.memref_slice %arg5[%dma_start3A_421, %dma_start3A_431, %dma_start3A_432] : memref<2x8x128xi32, #tpu.memory_space<vmem>> -> memref<1x8x128xi32, #tpu.memory_space<vmem>>
      %dma_start3A_434 = tpu.memref_squeeze %dma_start3A_433 : memref<1x8x128xi32, #tpu.memory_space<vmem>> -> memref<8x128xi32, #tpu.memory_space<vmem>>
      %dma_start3A_435 = arith.constant 0 : i32
      %dma_start3A_436 = tpu.memref_slice %dma_start3A_434[%dma_start3A_422, %dma_start3A_435] : memref<8x128xi32, #tpu.memory_space<vmem>> -> memref<1x128xi32, #tpu.memory_space<vmem>>
      %dma_start3A_437 = tpu.memref_squeeze %dma_start3A_436 : memref<1x128xi32, #tpu.memory_space<vmem>> -> memref<128xi32, #tpu.memory_space<vmem>>
      %dma_start3A_438 = arith.constant 0 : i32
      %dma_start3A_439 = arith.constant 0 : i32
      %dma_start3A_440 = tpu.memref_slice %arg3[%dma_start3A_438, %dma_start3A_439] : memref<1007616x16xf32, #tpu.memory_space<hbm>> -> memref<1007616x16xf32, #tpu.memory_space<hbm>>
      tpu.enqueue_indirect_dma source(%dma_start3A_440 : memref<1007616x16xf32, #tpu.memory_space<hbm>>) target(%dma_start3A_430 : memref<128x16xf32, #tpu.memory_space<vmem>>) offsets(%dma_start3A_437 : memref<128xi32, #tpu.memory_space<vmem>>) semaphore(%arg8 : memref<!tpu.dma_semaphore, #tpu.memory_space<semaphore_mem>>)
      %dma_start3A_441 = arith.constant 1 : i32
      %dma_start3A_442 = arith.constant 3 : i32
      %dma_start3A_443 = arith.constant 1 : i32
      %dma_start3A_444 = arith.constant 0 : i32
      %dma_start3A_445 = arith.constant 0 : i32
      %dma_start3A_446 = tpu.memref_slice %arg6[%dma_start3A_443, %dma_start3A_444, %dma_start3A_445] : memref<2x1024x16xf32, #tpu.memory_space<vmem>> -> memref<1x1024x16xf32, #tpu.memory_space<vmem>>
      %dma_start3A_447 = tpu.memref_squeeze %dma_start3A_446 : memref<1x1024x16xf32, #tpu.memory_space<vmem>> -> memref<1024x16xf32, #tpu.memory_space<vmem>>
      %dma_start3A_448 = arith.constant 384 : i32
      %dma_start3A_449 = arith.constant 0 : i32
      %dma_start3A_450 = tpu.memref_slice %dma_start3A_447[%dma_start3A_448, %dma_start3A_449] : memref<1024x16xf32, #tpu.memory_space<vmem>> -> memref<128x16xf32, #tpu.memory_space<vmem>>
      %dma_start3A_451 = arith.constant 0 : i32
      %dma_start3A_452 = arith.constant 0 : i32
      %dma_start3A_453 = tpu.memref_slice %arg5[%dma_start3A_441, %dma_start3A_451, %dma_start3A_452] : memref<2x8x128xi32, #tpu.memory_space<vmem>> -> memref<1x8x128xi32, #tpu.memory_space<vmem>>
      %dma_start3A_454 = tpu.memref_squeeze %dma_start3A_453 : memref<1x8x128xi32, #tpu.memory_space<vmem>> -> memref<8x128xi32, #tpu.memory_space<vmem>>
      %dma_start3A_455 = arith.constant 0 : i32
      %dma_start3A_456 = tpu.memref_slice %dma_start3A_454[%dma_start3A_442, %dma_start3A_455] : memref<8x128xi32, #tpu.memory_space<vmem>> -> memref<1x128xi32, #tpu.memory_space<vmem>>
      %dma_start3A_457 = tpu.memref_squeeze %dma_start3A_456 : memref<1x128xi32, #tpu.memory_space<vmem>> -> memref<128xi32, #tpu.memory_space<vmem>>
      %dma_start3A_458 = arith.constant 0 : i32
      %dma_start3A_459 = arith.constant 0 : i32
      %dma_start3A_460 = tpu.memref_slice %arg3[%dma_start3A_458, %dma_start3A_459] : memref<1007616x16xf32, #tpu.memory_space<hbm>> -> memref<1007616x16xf32, #tpu.memory_space<hbm>>
      tpu.enqueue_indirect_dma source(%dma_start3A_460 : memref<1007616x16xf32, #tpu.memory_space<hbm>>) target(%dma_start3A_450 : memref<128x16xf32, #tpu.memory_space<vmem>>) offsets(%dma_start3A_457 : memref<128xi32, #tpu.memory_space<vmem>>) semaphore(%arg8 : memref<!tpu.dma_semaphore, #tpu.memory_space<semaphore_mem>>)
      %dma_start3A_461 = arith.constant 1 : i32
      %dma_start3A_462 = arith.constant 4 : i32
      %dma_start3A_463 = arith.constant 1 : i32
      %dma_start3A_464 = arith.constant 0 : i32
      %dma_start3A_465 = arith.constant 0 : i32
      %dma_start3A_466 = tpu.memref_slice %arg6[%dma_start3A_463, %dma_start3A_464, %dma_start3A_465] : memref<2x1024x16xf32, #tpu.memory_space<vmem>> -> memref<1x1024x16xf32, #tpu.memory_space<vmem>>
      %dma_start3A_467 = tpu.memref_squeeze %dma_start3A_466 : memref<1x1024x16xf32, #tpu.memory_space<vmem>> -> memref<1024x16xf32, #tpu.memory_space<vmem>>
      %dma_start3A_468 = arith.constant 512 : i32
      %dma_start3A_469 = arith.constant 0 : i32
      %dma_start3A_470 = tpu.memref_slice %dma_start3A_467[%dma_start3A_468, %dma_start3A_469] : memref<1024x16xf32, #tpu.memory_space<vmem>> -> memref<128x16xf32, #tpu.memory_space<vmem>>
      %dma_start3A_471 = arith.constant 0 : i32
      %dma_start3A_472 = arith.constant 0 : i32
      %dma_start3A_473 = tpu.memref_slice %arg5[%dma_start3A_461, %dma_start3A_471, %dma_start3A_472] : memref<2x8x128xi32, #tpu.memory_space<vmem>> -> memref<1x8x128xi32, #tpu.memory_space<vmem>>
      %dma_start3A_474 = tpu.memref_squeeze %dma_start3A_473 : memref<1x8x128xi32, #tpu.memory_space<vmem>> -> memref<8x128xi32, #tpu.memory_space<vmem>>
      %dma_start3A_475 = arith.constant 0 : i32
      %dma_start3A_476 = tpu.memref_slice %dma_start3A_474[%dma_start3A_462, %dma_start3A_475] : memref<8x128xi32, #tpu.memory_space<vmem>> -> memref<1x128xi32, #tpu.memory_space<vmem>>
      %dma_start3A_477 = tpu.memref_squeeze %dma_start3A_476 : memref<1x128xi32, #tpu.memory_space<vmem>> -> memref<128xi32, #tpu.memory_space<vmem>>
      %dma_start3A_478 = arith.constant 0 : i32
      %dma_start3A_479 = arith.constant 0 : i32
      %dma_start3A_480 = tpu.memref_slice %arg3[%dma_start3A_478, %dma_start3A_479] : memref<1007616x16xf32, #tpu.memory_space<hbm>> -> memref<1007616x16xf32, #tpu.memory_space<hbm>>
      tpu.enqueue_indirect_dma source(%dma_start3A_480 : memref<1007616x16xf32, #tpu.memory_space<hbm>>) target(%dma_start3A_470 : memref<128x16xf32, #tpu.memory_space<vmem>>) offsets(%dma_start3A_477 : memref<128xi32, #tpu.memory_space<vmem>>) semaphore(%arg8 : memref<!tpu.dma_semaphore, #tpu.memory_space<semaphore_mem>>)
      %dma_start3A_481 = arith.constant 1 : i32
      %dma_start3A_482 = arith.constant 5 : i32
      %dma_start3A_483 = arith.constant 1 : i32
      %dma_start3A_484 = arith.constant 0 : i32
      %dma_start3A_485 = arith.constant 0 : i32
      %dma_start3A_486 = tpu.memref_slice %arg6[%dma_start3A_483, %dma_start3A_484, %dma_start3A_485] : memref<2x1024x16xf32, #tpu.memory_space<vmem>> -> memref<1x1024x16xf32, #tpu.memory_space<vmem>>
      %dma_start3A_487 = tpu.memref_squeeze %dma_start3A_486 : memref<1x1024x16xf32, #tpu.memory_space<vmem>> -> memref<1024x16xf32, #tpu.memory_space<vmem>>
      %dma_start3A_488 = arith.constant 640 : i32
      %dma_start3A_489 = arith.constant 0 : i32
      %dma_start3A_490 = tpu.memref_slice %dma_start3A_487[%dma_start3A_488, %dma_start3A_489] : memref<1024x16xf32, #tpu.memory_space<vmem>> -> memref<128x16xf32, #tpu.memory_space<vmem>>
      %dma_start3A_491 = arith.constant 0 : i32
      %dma_start3A_492 = arith.constant 0 : i32
      %dma_start3A_493 = tpu.memref_slice %arg5[%dma_start3A_481, %dma_start3A_491, %dma_start3A_492] : memref<2x8x128xi32, #tpu.memory_space<vmem>> -> memref<1x8x128xi32, #tpu.memory_space<vmem>>
      %dma_start3A_494 = tpu.memref_squeeze %dma_start3A_493 : memref<1x8x128xi32, #tpu.memory_space<vmem>> -> memref<8x128xi32, #tpu.memory_space<vmem>>
      %dma_start3A_495 = arith.constant 0 : i32
      %dma_start3A_496 = tpu.memref_slice %dma_start3A_494[%dma_start3A_482, %dma_start3A_495] : memref<8x128xi32, #tpu.memory_space<vmem>> -> memref<1x128xi32, #tpu.memory_space<vmem>>
      %dma_start3A_497 = tpu.memref_squeeze %dma_start3A_496 : memref<1x128xi32, #tpu.memory_space<vmem>> -> memref<128xi32, #tpu.memory_space<vmem>>
      %dma_start3A_498 = arith.constant 0 : i32
      %dma_start3A_499 = arith.constant 0 : i32
      %dma_start3A_500 = tpu.memref_slice %arg3[%dma_start3A_498, %dma_start3A_499] : memref<1007616x16xf32, #tpu.memory_space<hbm>> -> memref<1007616x16xf32, #tpu.memory_space<hbm>>
      tpu.enqueue_indirect_dma source(%dma_start3A_500 : memref<1007616x16xf32, #tpu.memory_space<hbm>>) target(%dma_start3A_490 : memref<128x16xf32, #tpu.memory_space<vmem>>) offsets(%dma_start3A_497 : memref<128xi32, #tpu.memory_space<vmem>>) semaphore(%arg8 : memref<!tpu.dma_semaphore, #tpu.memory_space<semaphore_mem>>)
      %dma_start3A_501 = arith.constant 1 : i32
      %dma_start3A_502 = arith.constant 6 : i32
      %dma_start3A_503 = arith.constant 1 : i32
      %dma_start3A_504 = arith.constant 0 : i32
      %dma_start3A_505 = arith.constant 0 : i32
      %dma_start3A_506 = tpu.memref_slice %arg6[%dma_start3A_503, %dma_start3A_504, %dma_start3A_505] : memref<2x1024x16xf32, #tpu.memory_space<vmem>> -> memref<1x1024x16xf32, #tpu.memory_space<vmem>>
      %dma_start3A_507 = tpu.memref_squeeze %dma_start3A_506 : memref<1x1024x16xf32, #tpu.memory_space<vmem>> -> memref<1024x16xf32, #tpu.memory_space<vmem>>
      %dma_start3A_508 = arith.constant 768 : i32
      %dma_start3A_509 = arith.constant 0 : i32
      %dma_start3A_510 = tpu.memref_slice %dma_start3A_507[%dma_start3A_508, %dma_start3A_509] : memref<1024x16xf32, #tpu.memory_space<vmem>> -> memref<128x16xf32, #tpu.memory_space<vmem>>
      %dma_start3A_511 = arith.constant 0 : i32
      %dma_start3A_512 = arith.constant 0 : i32
      %dma_start3A_513 = tpu.memref_slice %arg5[%dma_start3A_501, %dma_start3A_511, %dma_start3A_512] : memref<2x8x128xi32, #tpu.memory_space<vmem>> -> memref<1x8x128xi32, #tpu.memory_space<vmem>>
      %dma_start3A_514 = tpu.memref_squeeze %dma_start3A_513 : memref<1x8x128xi32, #tpu.memory_space<vmem>> -> memref<8x128xi32, #tpu.memory_space<vmem>>
      %dma_start3A_515 = arith.constant 0 : i32
      %dma_start3A_516 = tpu.memref_slice %dma_start3A_514[%dma_start3A_502, %dma_start3A_515] : memref<8x128xi32, #tpu.memory_space<vmem>> -> memref<1x128xi32, #tpu.memory_space<vmem>>
      %dma_start3A_517 = tpu.memref_squeeze %dma_start3A_516 : memref<1x128xi32, #tpu.memory_space<vmem>> -> memref<128xi32, #tpu.memory_space<vmem>>
      %dma_start3A_518 = arith.constant 0 : i32
      %dma_start3A_519 = arith.constant 0 : i32
      %dma_start3A_520 = tpu.memref_slice %arg3[%dma_start3A_518, %dma_start3A_519] : memref<1007616x16xf32, #tpu.memory_space<hbm>> -> memref<1007616x16xf32, #tpu.memory_space<hbm>>
      tpu.enqueue_indirect_dma source(%dma_start3A_520 : memref<1007616x16xf32, #tpu.memory_space<hbm>>) target(%dma_start3A_510 : memref<128x16xf32, #tpu.memory_space<vmem>>) offsets(%dma_start3A_517 : memref<128xi32, #tpu.memory_space<vmem>>) semaphore(%arg8 : memref<!tpu.dma_semaphore, #tpu.memory_space<semaphore_mem>>)
      %dma_start3A_521 = arith.constant 1 : i32
      %dma_start3A_522 = arith.constant 7 : i32
      %dma_start3A_523 = arith.constant 1 : i32
      %dma_start3A_524 = arith.constant 0 : i32
      %dma_start3A_525 = arith.constant 0 : i32
      %dma_start3A_526 = tpu.memref_slice %arg6[%dma_start3A_523, %dma_start3A_524, %dma_start3A_525] : memref<2x1024x16xf32, #tpu.memory_space<vmem>> -> memref<1x1024x16xf32, #tpu.memory_space<vmem>>
      %dma_start3A_527 = tpu.memref_squeeze %dma_start3A_526 : memref<1x1024x16xf32, #tpu.memory_space<vmem>> -> memref<1024x16xf32, #tpu.memory_space<vmem>>
      %dma_start3A_528 = arith.constant 896 : i32
      %dma_start3A_529 = arith.constant 0 : i32
      %dma_start3A_530 = tpu.memref_slice %dma_start3A_527[%dma_start3A_528, %dma_start3A_529] : memref<1024x16xf32, #tpu.memory_space<vmem>> -> memref<128x16xf32, #tpu.memory_space<vmem>>
      %dma_start3A_531 = arith.constant 0 : i32
      %dma_start3A_532 = arith.constant 0 : i32
      %dma_start3A_533 = tpu.memref_slice %arg5[%dma_start3A_521, %dma_start3A_531, %dma_start3A_532] : memref<2x8x128xi32, #tpu.memory_space<vmem>> -> memref<1x8x128xi32, #tpu.memory_space<vmem>>
      %dma_start3A_534 = tpu.memref_squeeze %dma_start3A_533 : memref<1x8x128xi32, #tpu.memory_space<vmem>> -> memref<8x128xi32, #tpu.memory_space<vmem>>
      %dma_start3A_535 = arith.constant 0 : i32
      %dma_start3A_536 = tpu.memref_slice %dma_start3A_534[%dma_start3A_522, %dma_start3A_535] : memref<8x128xi32, #tpu.memory_space<vmem>> -> memref<1x128xi32, #tpu.memory_space<vmem>>
      %dma_start3A_537 = tpu.memref_squeeze %dma_start3A_536 : memref<1x128xi32, #tpu.memory_space<vmem>> -> memref<128xi32, #tpu.memory_space<vmem>>
      %dma_start3A_538 = arith.constant 0 : i32
      %dma_start3A_539 = arith.constant 0 : i32
      %dma_start3A_540 = tpu.memref_slice %arg3[%dma_start3A_538, %dma_start3A_539] : memref<1007616x16xf32, #tpu.memory_space<hbm>> -> memref<1007616x16xf32, #tpu.memory_space<hbm>>
      tpu.enqueue_indirect_dma source(%dma_start3A_540 : memref<1007616x16xf32, #tpu.memory_space<hbm>>) target(%dma_start3A_530 : memref<128x16xf32, #tpu.memory_space<vmem>>) offsets(%dma_start3A_537 : memref<128xi32, #tpu.memory_space<vmem>>) semaphore(%arg8 : memref<!tpu.dma_semaphore, #tpu.memory_space<semaphore_mem>>)
      %dma_wait3A_541 = arith.constant 0 : i32
      %dma_wait3A_542 = arith.constant 0 : i32
      %dma_wait3A_543 = arith.constant 0 : i32
      %dma_wait3A_544 = tpu.memref_slice %arg6[%dma_wait3A_541, %dma_wait3A_542, %dma_wait3A_543] : memref<2x1024x16xf32, #tpu.memory_space<vmem>> -> memref<1x1024x16xf32, #tpu.memory_space<vmem>>
      %dma_wait3A_545 = tpu.memref_squeeze %dma_wait3A_544 : memref<1x1024x16xf32, #tpu.memory_space<vmem>> -> memref<1024x16xf32, #tpu.memory_space<vmem>>
      %dma_wait3A_546 = arith.constant 0 : i32
      %dma_wait3A_547 = arith.constant 0 : i32
      %dma_wait3A_548 = tpu.memref_slice %arg3[%dma_wait3A_546, %dma_wait3A_547] : memref<1007616x16xf32, #tpu.memory_space<hbm>> -> memref<1024x16xf32, #tpu.memory_space<hbm>>
      %dma_wait3A_549 = arith.constant 0 : i32
      %dma_wait3A_550 = arith.constant 0 : i32
      %dma_wait3A_551 = tpu.memref_slice %arg6[%dma_wait3A_541, %dma_wait3A_549, %dma_wait3A_550] : memref<2x1024x16xf32, #tpu.memory_space<vmem>> -> memref<1x1024x16xf32, #tpu.memory_space<vmem>>
      %dma_wait3A_552 = tpu.memref_squeeze %dma_wait3A_551 : memref<1x1024x16xf32, #tpu.memory_space<vmem>> -> memref<1024x16xf32, #tpu.memory_space<vmem>>
      %dma_wait3A_553 = arith.constant 0 : i32
      %dma_wait3A_554 = arith.constant 0 : i32
      %dma_wait3A_555 = tpu.memref_slice %arg3[%dma_wait3A_553, %dma_wait3A_554] : memref<1007616x16xf32, #tpu.memory_space<hbm>> -> memref<1024x16xf32, #tpu.memory_space<hbm>>
      tpu.wait_dma2 semaphore(%arg7 : memref<!tpu.dma_semaphore, #tpu.memory_space<semaphore_mem>>) src(%dma_wait3A_555 : memref<1024x16xf32, #tpu.memory_space<hbm>>) dst(%dma_wait3A_552 : memref<1024x16xf32, #tpu.memory_space<vmem>>)
      %mul3A_556 = arith.constant 8 : i32
      %mul3A_557 = arith.muli %add3A_374, %mul3A_556 : i32
      %add3A_558 = arith.addi %mul3A_2, %mul3A_557 : i32
      %mul3A_559 = arith.constant 128 : i32
      %mul3A_560 = arith.muli %add3A_558, %mul3A_559 : i32
      %run_scoped3A_561 = arith.constant 0 : i32
      "tpu.region"() ({
        %run_scoped3A_751 = tpu.sem_alloc : memref<!tpu.dma_semaphore, #tpu.memory_space<semaphore_mem>>
        %dma_start3A_752 = arith.constant 0 : i32
        %dma_start3A_753 = arith.constant 0 : i32
        %dma_start3A_754 = tpu.memref_slice %arg6[%run_scoped3A_561, %dma_start3A_752, %dma_start3A_753] : memref<2x1024x16xf32, #tpu.memory_space<vmem>> -> memref<1x1024x16xf32, #tpu.memory_space<vmem>>
        %dma_start3A_755 = tpu.memref_squeeze %dma_start3A_754 : memref<1x1024x16xf32, #tpu.memory_space<vmem>> -> memref<1024x16xf32, #tpu.memory_space<vmem>>
        %dma_start3A_756 = arith.constant 0 : i32
        %dma_start3A_757 = tpu.memref_slice %arg4[%mul3A_560, %dma_start3A_756] : memref<917504x16xf32, #tpu.memory_space<hbm>> -> memref<1024x16xf32, #tpu.memory_space<hbm>>
        %dma_start3A_758 = arith.constant 0 : i32
        %dma_start3A_759 = tpu.memref_slice %arg4[%mul3A_560, %dma_start3A_758] : memref<917504x16xf32, #tpu.memory_space<hbm>> -> memref<1024x16xf32, #tpu.memory_space<hbm>>
        %dma_start3A_760 = arith.constant 0 : i32
        %dma_start3A_761 = arith.constant 0 : i32
        %dma_start3A_762 = tpu.memref_slice %arg6[%run_scoped3A_561, %dma_start3A_760, %dma_start3A_761] : memref<2x1024x16xf32, #tpu.memory_space<vmem>> -> memref<1x1024x16xf32, #tpu.memory_space<vmem>>
        %dma_start3A_763 = tpu.memref_squeeze %dma_start3A_762 : memref<1x1024x16xf32, #tpu.memory_space<vmem>> -> memref<1024x16xf32, #tpu.memory_space<vmem>>
        tpu.enqueue_dma source(%dma_start3A_763 : memref<1024x16xf32, #tpu.memory_space<vmem>>) target(%dma_start3A_759 : memref<1024x16xf32, #tpu.memory_space<hbm>>) target_semaphore(%run_scoped3A_751 : memref<!tpu.dma_semaphore, #tpu.memory_space<semaphore_mem>>)
        %dma_wait3A_764 = arith.constant 0 : i32
        %dma_wait3A_765 = arith.constant 0 : i32
        %dma_wait3A_766 = tpu.memref_slice %arg6[%run_scoped3A_561, %dma_wait3A_764, %dma_wait3A_765] : memref<2x1024x16xf32, #tpu.memory_space<vmem>> -> memref<1x1024x16xf32, #tpu.memory_space<vmem>>
        %dma_wait3A_767 = tpu.memref_squeeze %dma_wait3A_766 : memref<1x1024x16xf32, #tpu.memory_space<vmem>> -> memref<1024x16xf32, #tpu.memory_space<vmem>>
        %dma_wait3A_768 = arith.constant 0 : i32
        %dma_wait3A_769 = tpu.memref_slice %arg4[%mul3A_560, %dma_wait3A_768] : memref<917504x16xf32, #tpu.memory_space<hbm>> -> memref<1024x16xf32, #tpu.memory_space<hbm>>
        %dma_wait3A_770 = arith.constant 0 : i32
        %dma_wait3A_771 = tpu.memref_slice %arg4[%mul3A_560, %dma_wait3A_770] : memref<917504x16xf32, #tpu.memory_space<hbm>> -> memref<1024x16xf32, #tpu.memory_space<hbm>>
        %dma_wait3A_772 = arith.constant 0 : i32
        %dma_wait3A_773 = arith.constant 0 : i32
        %dma_wait3A_774 = tpu.memref_slice %arg6[%run_scoped3A_561, %dma_wait3A_772, %dma_wait3A_773] : memref<2x1024x16xf32, #tpu.memory_space<vmem>> -> memref<1x1024x16xf32, #tpu.memory_space<vmem>>
        %dma_wait3A_775 = tpu.memref_squeeze %dma_wait3A_774 : memref<1x1024x16xf32, #tpu.memory_space<vmem>> -> memref<1024x16xf32, #tpu.memory_space<vmem>>
        tpu.wait_dma2 semaphore(%run_scoped3A_751 : memref<!tpu.dma_semaphore, #tpu.memory_space<semaphore_mem>>) src(%dma_wait3A_775 : memref<1024x16xf32, #tpu.memory_space<vmem>>) dst(%dma_wait3A_771 : memref<1024x16xf32, #tpu.memory_space<hbm>>)
        tpu.yield
      }) : () -> ()
      %add3A_562 = arith.constant 2 : i32
      %add3A_563 = arith.addi %add3A_374, %add3A_562 : i32
      %mul3A_564 = arith.constant 8 : i32
      %mul3A_565 = arith.muli %add3A_563, %mul3A_564 : i32
      %add3A_566 = arith.addi %mul3A_2, %mul3A_565 : i32
      %run_scoped3A_567 = arith.constant 0 : i32
      "tpu.region"() ({
        %run_scoped3A_751 = tpu.sem_alloc : memref<!tpu.dma_semaphore, #tpu.memory_space<semaphore_mem>>
        %dma_start3A_752 = arith.constant 0 : i32
        %dma_start3A_753 = arith.constant 0 : i32
        %dma_start3A_754 = tpu.memref_slice %arg5[%run_scoped3A_567, %dma_start3A_752, %dma_start3A_753] : memref<2x8x128xi32, #tpu.memory_space<vmem>> -> memref<1x8x128xi32, #tpu.memory_space<vmem>>
        %dma_start3A_755 = tpu.memref_squeeze %dma_start3A_754 : memref<1x8x128xi32, #tpu.memory_space<vmem>> -> memref<8x128xi32, #tpu.memory_space<vmem>>
        %dma_start3A_756 = arith.constant 0 : i32
        %dma_start3A_757 = tpu.memref_slice %arg2[%add3A_566, %dma_start3A_756] : memref<7168x128xi32, #tpu.memory_space<hbm>> -> memref<8x128xi32, #tpu.memory_space<hbm>>
        %dma_start3A_758 = arith.constant 0 : i32
        %dma_start3A_759 = arith.constant 0 : i32
        %dma_start3A_760 = tpu.memref_slice %arg5[%run_scoped3A_567, %dma_start3A_758, %dma_start3A_759] : memref<2x8x128xi32, #tpu.memory_space<vmem>> -> memref<1x8x128xi32, #tpu.memory_space<vmem>>
        %dma_start3A_761 = tpu.memref_squeeze %dma_start3A_760 : memref<1x8x128xi32, #tpu.memory_space<vmem>> -> memref<8x128xi32, #tpu.memory_space<vmem>>
        %dma_start3A_762 = arith.constant 0 : i32
        %dma_start3A_763 = tpu.memref_slice %arg2[%add3A_566, %dma_start3A_762] : memref<7168x128xi32, #tpu.memory_space<hbm>> -> memref<8x128xi32, #tpu.memory_space<hbm>>
        tpu.enqueue_dma source(%dma_start3A_763 : memref<8x128xi32, #tpu.memory_space<hbm>>) target(%dma_start3A_761 : memref<8x128xi32, #tpu.memory_space<vmem>>) target_semaphore(%run_scoped3A_751 : memref<!tpu.dma_semaphore, #tpu.memory_space<semaphore_mem>>)
        %dma_wait3A_764 = arith.constant 0 : i32
        %dma_wait3A_765 = arith.constant 0 : i32
        %dma_wait3A_766 = tpu.memref_slice %arg5[%run_scoped3A_567, %dma_wait3A_764, %dma_wait3A_765] : memref<2x8x128xi32, #tpu.memory_space<vmem>> -> memref<1x8x128xi32, #tpu.memory_space<vmem>>
        %dma_wait3A_767 = tpu.memref_squeeze %dma_wait3A_766 : memref<1x8x128xi32, #tpu.memory_space<vmem>> -> memref<8x128xi32, #tpu.memory_space<vmem>>
        %dma_wait3A_768 = arith.constant 0 : i32
        %dma_wait3A_769 = tpu.memref_slice %arg2[%add3A_566, %dma_wait3A_768] : memref<7168x128xi32, #tpu.memory_space<hbm>> -> memref<8x128xi32, #tpu.memory_space<hbm>>
        %dma_wait3A_770 = arith.constant 0 : i32
        %dma_wait3A_771 = arith.constant 0 : i32
        %dma_wait3A_772 = tpu.memref_slice %arg5[%run_scoped3A_567, %dma_wait3A_770, %dma_wait3A_771] : memref<2x8x128xi32, #tpu.memory_space<vmem>> -> memref<1x8x128xi32, #tpu.memory_space<vmem>>
        %dma_wait3A_773 = tpu.memref_squeeze %dma_wait3A_772 : memref<1x8x128xi32, #tpu.memory_space<vmem>> -> memref<8x128xi32, #tpu.memory_space<vmem>>
        %dma_wait3A_774 = arith.constant 0 : i32
        %dma_wait3A_775 = tpu.memref_slice %arg2[%add3A_566, %dma_wait3A_774] : memref<7168x128xi32, #tpu.memory_space<hbm>> -> memref<8x128xi32, #tpu.memory_space<hbm>>
        tpu.wait_dma2 semaphore(%run_scoped3A_751 : memref<!tpu.dma_semaphore, #tpu.memory_space<semaphore_mem>>) src(%dma_wait3A_775 : memref<8x128xi32, #tpu.memory_space<hbm>>) dst(%dma_wait3A_773 : memref<8x128xi32, #tpu.memory_space<vmem>>)
        tpu.yield
      }) : () -> ()
      %dma_start3A_568 = arith.constant 0 : i32
      %dma_start3A_569 = arith.constant 0 : i32
      %dma_start3A_570 = arith.constant 0 : i32
      %dma_start3A_571 = arith.constant 0 : i32
      %dma_start3A_572 = arith.constant 0 : i32
      %dma_start3A_573 = tpu.memref_slice %arg6[%dma_start3A_570, %dma_start3A_571, %dma_start3A_572] : memref<2x1024x16xf32, #tpu.memory_space<vmem>> -> memref<1x1024x16xf32, #tpu.memory_space<vmem>>
      %dma_start3A_574 = tpu.memref_squeeze %dma_start3A_573 : memref<1x1024x16xf32, #tpu.memory_space<vmem>> -> memref<1024x16xf32, #tpu.memory_space<vmem>>
      %dma_start3A_575 = arith.constant 0 : i32
      %dma_start3A_576 = arith.constant 0 : i32
      %dma_start3A_577 = tpu.memref_slice %dma_start3A_574[%dma_start3A_575, %dma_start3A_576] : memref<1024x16xf32, #tpu.memory_space<vmem>> -> memref<128x16xf32, #tpu.memory_space<vmem>>
      %dma_start3A_578 = arith.constant 0 : i32
      %dma_start3A_579 = arith.constant 0 : i32
      %dma_start3A_580 = tpu.memref_slice %arg5[%dma_start3A_568, %dma_start3A_578, %dma_start3A_579] : memref<2x8x128xi32, #tpu.memory_space<vmem>> -> memref<1x8x128xi32, #tpu.memory_space<vmem>>
      %dma_start3A_581 = tpu.memref_squeeze %dma_start3A_580 : memref<1x8x128xi32, #tpu.memory_space<vmem>> -> memref<8x128xi32, #tpu.memory_space<vmem>>
      %dma_start3A_582 = arith.constant 0 : i32
      %dma_start3A_583 = tpu.memref_slice %dma_start3A_581[%dma_start3A_569, %dma_start3A_582] : memref<8x128xi32, #tpu.memory_space<vmem>> -> memref<1x128xi32, #tpu.memory_space<vmem>>
      %dma_start3A_584 = tpu.memref_squeeze %dma_start3A_583 : memref<1x128xi32, #tpu.memory_space<vmem>> -> memref<128xi32, #tpu.memory_space<vmem>>
      %dma_start3A_585 = arith.constant 0 : i32
      %dma_start3A_586 = arith.constant 0 : i32
      %dma_start3A_587 = tpu.memref_slice %arg3[%dma_start3A_585, %dma_start3A_586] : memref<1007616x16xf32, #tpu.memory_space<hbm>> -> memref<1007616x16xf32, #tpu.memory_space<hbm>>
      tpu.enqueue_indirect_dma source(%dma_start3A_587 : memref<1007616x16xf32, #tpu.memory_space<hbm>>) target(%dma_start3A_577 : memref<128x16xf32, #tpu.memory_space<vmem>>) offsets(%dma_start3A_584 : memref<128xi32, #tpu.memory_space<vmem>>) semaphore(%arg7 : memref<!tpu.dma_semaphore, #tpu.memory_space<semaphore_mem>>)
      %dma_start3A_588 = arith.constant 0 : i32
      %dma_start3A_589 = arith.constant 1 : i32
      %dma_start3A_590 = arith.constant 0 : i32
      %dma_start3A_591 = arith.constant 0 : i32
      %dma_start3A_592 = arith.constant 0 : i32
      %dma_start3A_593 = tpu.memref_slice %arg6[%dma_start3A_590, %dma_start3A_591, %dma_start3A_592] : memref<2x1024x16xf32, #tpu.memory_space<vmem>> -> memref<1x1024x16xf32, #tpu.memory_space<vmem>>
      %dma_start3A_594 = tpu.memref_squeeze %dma_start3A_593 : memref<1x1024x16xf32, #tpu.memory_space<vmem>> -> memref<1024x16xf32, #tpu.memory_space<vmem>>
      %dma_start3A_595 = arith.constant 128 : i32
      %dma_start3A_596 = arith.constant 0 : i32
      %dma_start3A_597 = tpu.memref_slice %dma_start3A_594[%dma_start3A_595, %dma_start3A_596] : memref<1024x16xf32, #tpu.memory_space<vmem>> -> memref<128x16xf32, #tpu.memory_space<vmem>>
      %dma_start3A_598 = arith.constant 0 : i32
      %dma_start3A_599 = arith.constant 0 : i32
      %dma_start3A_600 = tpu.memref_slice %arg5[%dma_start3A_588, %dma_start3A_598, %dma_start3A_599] : memref<2x8x128xi32, #tpu.memory_space<vmem>> -> memref<1x8x128xi32, #tpu.memory_space<vmem>>
      %dma_start3A_601 = tpu.memref_squeeze %dma_start3A_600 : memref<1x8x128xi32, #tpu.memory_space<vmem>> -> memref<8x128xi32, #tpu.memory_space<vmem>>
      %dma_start3A_602 = arith.constant 0 : i32
      %dma_start3A_603 = tpu.memref_slice %dma_start3A_601[%dma_start3A_589, %dma_start3A_602] : memref<8x128xi32, #tpu.memory_space<vmem>> -> memref<1x128xi32, #tpu.memory_space<vmem>>
      %dma_start3A_604 = tpu.memref_squeeze %dma_start3A_603 : memref<1x128xi32, #tpu.memory_space<vmem>> -> memref<128xi32, #tpu.memory_space<vmem>>
      %dma_start3A_605 = arith.constant 0 : i32
      %dma_start3A_606 = arith.constant 0 : i32
      %dma_start3A_607 = tpu.memref_slice %arg3[%dma_start3A_605, %dma_start3A_606] : memref<1007616x16xf32, #tpu.memory_space<hbm>> -> memref<1007616x16xf32, #tpu.memory_space<hbm>>
      tpu.enqueue_indirect_dma source(%dma_start3A_607 : memref<1007616x16xf32, #tpu.memory_space<hbm>>) target(%dma_start3A_597 : memref<128x16xf32, #tpu.memory_space<vmem>>) offsets(%dma_start3A_604 : memref<128xi32, #tpu.memory_space<vmem>>) semaphore(%arg7 : memref<!tpu.dma_semaphore, #tpu.memory_space<semaphore_mem>>)
      %dma_start3A_608 = arith.constant 0 : i32
      %dma_start3A_609 = arith.constant 2 : i32
      %dma_start3A_610 = arith.constant 0 : i32
      %dma_start3A_611 = arith.constant 0 : i32
      %dma_start3A_612 = arith.constant 0 : i32
      %dma_start3A_613 = tpu.memref_slice %arg6[%dma_start3A_610, %dma_start3A_611, %dma_start3A_612] : memref<2x1024x16xf32, #tpu.memory_space<vmem>> -> memref<1x1024x16xf32, #tpu.memory_space<vmem>>
      %dma_start3A_614 = tpu.memref_squeeze %dma_start3A_613 : memref<1x1024x16xf32, #tpu.memory_space<vmem>> -> memref<1024x16xf32, #tpu.memory_space<vmem>>
      %dma_start3A_615 = arith.constant 256 : i32
      %dma_start3A_616 = arith.constant 0 : i32
      %dma_start3A_617 = tpu.memref_slice %dma_start3A_614[%dma_start3A_615, %dma_start3A_616] : memref<1024x16xf32, #tpu.memory_space<vmem>> -> memref<128x16xf32, #tpu.memory_space<vmem>>
      %dma_start3A_618 = arith.constant 0 : i32
      %dma_start3A_619 = arith.constant 0 : i32
      %dma_start3A_620 = tpu.memref_slice %arg5[%dma_start3A_608, %dma_start3A_618, %dma_start3A_619] : memref<2x8x128xi32, #tpu.memory_space<vmem>> -> memref<1x8x128xi32, #tpu.memory_space<vmem>>
      %dma_start3A_621 = tpu.memref_squeeze %dma_start3A_620 : memref<1x8x128xi32, #tpu.memory_space<vmem>> -> memref<8x128xi32, #tpu.memory_space<vmem>>
      %dma_start3A_622 = arith.constant 0 : i32
      %dma_start3A_623 = tpu.memref_slice %dma_start3A_621[%dma_start3A_609, %dma_start3A_622] : memref<8x128xi32, #tpu.memory_space<vmem>> -> memref<1x128xi32, #tpu.memory_space<vmem>>
      %dma_start3A_624 = tpu.memref_squeeze %dma_start3A_623 : memref<1x128xi32, #tpu.memory_space<vmem>> -> memref<128xi32, #tpu.memory_space<vmem>>
      %dma_start3A_625 = arith.constant 0 : i32
      %dma_start3A_626 = arith.constant 0 : i32
      %dma_start3A_627 = tpu.memref_slice %arg3[%dma_start3A_625, %dma_start3A_626] : memref<1007616x16xf32, #tpu.memory_space<hbm>> -> memref<1007616x16xf32, #tpu.memory_space<hbm>>
      tpu.enqueue_indirect_dma source(%dma_start3A_627 : memref<1007616x16xf32, #tpu.memory_space<hbm>>) target(%dma_start3A_617 : memref<128x16xf32, #tpu.memory_space<vmem>>) offsets(%dma_start3A_624 : memref<128xi32, #tpu.memory_space<vmem>>) semaphore(%arg7 : memref<!tpu.dma_semaphore, #tpu.memory_space<semaphore_mem>>)
      %dma_start3A_628 = arith.constant 0 : i32
      %dma_start3A_629 = arith.constant 3 : i32
      %dma_start3A_630 = arith.constant 0 : i32
      %dma_start3A_631 = arith.constant 0 : i32
      %dma_start3A_632 = arith.constant 0 : i32
      %dma_start3A_633 = tpu.memref_slice %arg6[%dma_start3A_630, %dma_start3A_631, %dma_start3A_632] : memref<2x1024x16xf32, #tpu.memory_space<vmem>> -> memref<1x1024x16xf32, #tpu.memory_space<vmem>>
      %dma_start3A_634 = tpu.memref_squeeze %dma_start3A_633 : memref<1x1024x16xf32, #tpu.memory_space<vmem>> -> memref<1024x16xf32, #tpu.memory_space<vmem>>
      %dma_start3A_635 = arith.constant 384 : i32
      %dma_start3A_636 = arith.constant 0 : i32
      %dma_start3A_637 = tpu.memref_slice %dma_start3A_634[%dma_start3A_635, %dma_start3A_636] : memref<1024x16xf32, #tpu.memory_space<vmem>> -> memref<128x16xf32, #tpu.memory_space<vmem>>
      %dma_start3A_638 = arith.constant 0 : i32
      %dma_start3A_639 = arith.constant 0 : i32
      %dma_start3A_640 = tpu.memref_slice %arg5[%dma_start3A_628, %dma_start3A_638, %dma_start3A_639] : memref<2x8x128xi32, #tpu.memory_space<vmem>> -> memref<1x8x128xi32, #tpu.memory_space<vmem>>
      %dma_start3A_641 = tpu.memref_squeeze %dma_start3A_640 : memref<1x8x128xi32, #tpu.memory_space<vmem>> -> memref<8x128xi32, #tpu.memory_space<vmem>>
      %dma_start3A_642 = arith.constant 0 : i32
      %dma_start3A_643 = tpu.memref_slice %dma_start3A_641[%dma_start3A_629, %dma_start3A_642] : memref<8x128xi32, #tpu.memory_space<vmem>> -> memref<1x128xi32, #tpu.memory_space<vmem>>
      %dma_start3A_644 = tpu.memref_squeeze %dma_start3A_643 : memref<1x128xi32, #tpu.memory_space<vmem>> -> memref<128xi32, #tpu.memory_space<vmem>>
      %dma_start3A_645 = arith.constant 0 : i32
      %dma_start3A_646 = arith.constant 0 : i32
      %dma_start3A_647 = tpu.memref_slice %arg3[%dma_start3A_645, %dma_start3A_646] : memref<1007616x16xf32, #tpu.memory_space<hbm>> -> memref<1007616x16xf32, #tpu.memory_space<hbm>>
      tpu.enqueue_indirect_dma source(%dma_start3A_647 : memref<1007616x16xf32, #tpu.memory_space<hbm>>) target(%dma_start3A_637 : memref<128x16xf32, #tpu.memory_space<vmem>>) offsets(%dma_start3A_644 : memref<128xi32, #tpu.memory_space<vmem>>) semaphore(%arg7 : memref<!tpu.dma_semaphore, #tpu.memory_space<semaphore_mem>>)
      %dma_start3A_648 = arith.constant 0 : i32
      %dma_start3A_649 = arith.constant 4 : i32
      %dma_start3A_650 = arith.constant 0 : i32
      %dma_start3A_651 = arith.constant 0 : i32
      %dma_start3A_652 = arith.constant 0 : i32
      %dma_start3A_653 = tpu.memref_slice %arg6[%dma_start3A_650, %dma_start3A_651, %dma_start3A_652] : memref<2x1024x16xf32, #tpu.memory_space<vmem>> -> memref<1x1024x16xf32, #tpu.memory_space<vmem>>
      %dma_start3A_654 = tpu.memref_squeeze %dma_start3A_653 : memref<1x1024x16xf32, #tpu.memory_space<vmem>> -> memref<1024x16xf32, #tpu.memory_space<vmem>>
      %dma_start3A_655 = arith.constant 512 : i32
      %dma_start3A_656 = arith.constant 0 : i32
      %dma_start3A_657 = tpu.memref_slice %dma_start3A_654[%dma_start3A_655, %dma_start3A_656] : memref<1024x16xf32, #tpu.memory_space<vmem>> -> memref<128x16xf32, #tpu.memory_space<vmem>>
      %dma_start3A_658 = arith.constant 0 : i32
      %dma_start3A_659 = arith.constant 0 : i32
      %dma_start3A_660 = tpu.memref_slice %arg5[%dma_start3A_648, %dma_start3A_658, %dma_start3A_659] : memref<2x8x128xi32, #tpu.memory_space<vmem>> -> memref<1x8x128xi32, #tpu.memory_space<vmem>>
      %dma_start3A_661 = tpu.memref_squeeze %dma_start3A_660 : memref<1x8x128xi32, #tpu.memory_space<vmem>> -> memref<8x128xi32, #tpu.memory_space<vmem>>
      %dma_start3A_662 = arith.constant 0 : i32
      %dma_start3A_663 = tpu.memref_slice %dma_start3A_661[%dma_start3A_649, %dma_start3A_662] : memref<8x128xi32, #tpu.memory_space<vmem>> -> memref<1x128xi32, #tpu.memory_space<vmem>>
      %dma_start3A_664 = tpu.memref_squeeze %dma_start3A_663 : memref<1x128xi32, #tpu.memory_space<vmem>> -> memref<128xi32, #tpu.memory_space<vmem>>
      %dma_start3A_665 = arith.constant 0 : i32
      %dma_start3A_666 = arith.constant 0 : i32
      %dma_start3A_667 = tpu.memref_slice %arg3[%dma_start3A_665, %dma_start3A_666] : memref<1007616x16xf32, #tpu.memory_space<hbm>> -> memref<1007616x16xf32, #tpu.memory_space<hbm>>
      tpu.enqueue_indirect_dma source(%dma_start3A_667 : memref<1007616x16xf32, #tpu.memory_space<hbm>>) target(%dma_start3A_657 : memref<128x16xf32, #tpu.memory_space<vmem>>) offsets(%dma_start3A_664 : memref<128xi32, #tpu.memory_space<vmem>>) semaphore(%arg7 : memref<!tpu.dma_semaphore, #tpu.memory_space<semaphore_mem>>)
      %dma_start3A_668 = arith.constant 0 : i32
      %dma_start3A_669 = arith.constant 5 : i32
      %dma_start3A_670 = arith.constant 0 : i32
      %dma_start3A_671 = arith.constant 0 : i32
      %dma_start3A_672 = arith.constant 0 : i32
      %dma_start3A_673 = tpu.memref_slice %arg6[%dma_start3A_670, %dma_start3A_671, %dma_start3A_672] : memref<2x1024x16xf32, #tpu.memory_space<vmem>> -> memref<1x1024x16xf32, #tpu.memory_space<vmem>>
      %dma_start3A_674 = tpu.memref_squeeze %dma_start3A_673 : memref<1x1024x16xf32, #tpu.memory_space<vmem>> -> memref<1024x16xf32, #tpu.memory_space<vmem>>
      %dma_start3A_675 = arith.constant 640 : i32
      %dma_start3A_676 = arith.constant 0 : i32
      %dma_start3A_677 = tpu.memref_slice %dma_start3A_674[%dma_start3A_675, %dma_start3A_676] : memref<1024x16xf32, #tpu.memory_space<vmem>> -> memref<128x16xf32, #tpu.memory_space<vmem>>
      %dma_start3A_678 = arith.constant 0 : i32
      %dma_start3A_679 = arith.constant 0 : i32
      %dma_start3A_680 = tpu.memref_slice %arg5[%dma_start3A_668, %dma_start3A_678, %dma_start3A_679] : memref<2x8x128xi32, #tpu.memory_space<vmem>> -> memref<1x8x128xi32, #tpu.memory_space<vmem>>
      %dma_start3A_681 = tpu.memref_squeeze %dma_start3A_680 : memref<1x8x128xi32, #tpu.memory_space<vmem>> -> memref<8x128xi32, #tpu.memory_space<vmem>>
      %dma_start3A_682 = arith.constant 0 : i32
      %dma_start3A_683 = tpu.memref_slice %dma_start3A_681[%dma_start3A_669, %dma_start3A_682] : memref<8x128xi32, #tpu.memory_space<vmem>> -> memref<1x128xi32, #tpu.memory_space<vmem>>
      %dma_start3A_684 = tpu.memref_squeeze %dma_start3A_683 : memref<1x128xi32, #tpu.memory_space<vmem>> -> memref<128xi32, #tpu.memory_space<vmem>>
      %dma_start3A_685 = arith.constant 0 : i32
      %dma_start3A_686 = arith.constant 0 : i32
      %dma_start3A_687 = tpu.memref_slice %arg3[%dma_start3A_685, %dma_start3A_686] : memref<1007616x16xf32, #tpu.memory_space<hbm>> -> memref<1007616x16xf32, #tpu.memory_space<hbm>>
      tpu.enqueue_indirect_dma source(%dma_start3A_687 : memref<1007616x16xf32, #tpu.memory_space<hbm>>) target(%dma_start3A_677 : memref<128x16xf32, #tpu.memory_space<vmem>>) offsets(%dma_start3A_684 : memref<128xi32, #tpu.memory_space<vmem>>) semaphore(%arg7 : memref<!tpu.dma_semaphore, #tpu.memory_space<semaphore_mem>>)
      %dma_start3A_688 = arith.constant 0 : i32
      %dma_start3A_689 = arith.constant 6 : i32
      %dma_start3A_690 = arith.constant 0 : i32
      %dma_start3A_691 = arith.constant 0 : i32
      %dma_start3A_692 = arith.constant 0 : i32
      %dma_start3A_693 = tpu.memref_slice %arg6[%dma_start3A_690, %dma_start3A_691, %dma_start3A_692] : memref<2x1024x16xf32, #tpu.memory_space<vmem>> -> memref<1x1024x16xf32, #tpu.memory_space<vmem>>
      %dma_start3A_694 = tpu.memref_squeeze %dma_start3A_693 : memref<1x1024x16xf32, #tpu.memory_space<vmem>> -> memref<1024x16xf32, #tpu.memory_space<vmem>>
      %dma_start3A_695 = arith.constant 768 : i32
      %dma_start3A_696 = arith.constant 0 : i32
      %dma_start3A_697 = tpu.memref_slice %dma_start3A_694[%dma_start3A_695, %dma_start3A_696] : memref<1024x16xf32, #tpu.memory_space<vmem>> -> memref<128x16xf32, #tpu.memory_space<vmem>>
      %dma_start3A_698 = arith.constant 0 : i32
      %dma_start3A_699 = arith.constant 0 : i32
      %dma_start3A_700 = tpu.memref_slice %arg5[%dma_start3A_688, %dma_start3A_698, %dma_start3A_699] : memref<2x8x128xi32, #tpu.memory_space<vmem>> -> memref<1x8x128xi32, #tpu.memory_space<vmem>>
      %dma_start3A_701 = tpu.memref_squeeze %dma_start3A_700 : memref<1x8x128xi32, #tpu.memory_space<vmem>> -> memref<8x128xi32, #tpu.memory_space<vmem>>
      %dma_start3A_702 = arith.constant 0 : i32
      %dma_start3A_703 = tpu.memref_slice %dma_start3A_701[%dma_start3A_689, %dma_start3A_702] : memref<8x128xi32, #tpu.memory_space<vmem>> -> memref<1x128xi32, #tpu.memory_space<vmem>>
      %dma_start3A_704 = tpu.memref_squeeze %dma_start3A_703 : memref<1x128xi32, #tpu.memory_space<vmem>> -> memref<128xi32, #tpu.memory_space<vmem>>
      %dma_start3A_705 = arith.constant 0 : i32
      %dma_start3A_706 = arith.constant 0 : i32
      %dma_start3A_707 = tpu.memref_slice %arg3[%dma_start3A_705, %dma_start3A_706] : memref<1007616x16xf32, #tpu.memory_space<hbm>> -> memref<1007616x16xf32, #tpu.memory_space<hbm>>
      tpu.enqueue_indirect_dma source(%dma_start3A_707 : memref<1007616x16xf32, #tpu.memory_space<hbm>>) target(%dma_start3A_697 : memref<128x16xf32, #tpu.memory_space<vmem>>) offsets(%dma_start3A_704 : memref<128xi32, #tpu.memory_space<vmem>>) semaphore(%arg7 : memref<!tpu.dma_semaphore, #tpu.memory_space<semaphore_mem>>)
      %dma_start3A_708 = arith.constant 0 : i32
      %dma_start3A_709 = arith.constant 7 : i32
      %dma_start3A_710 = arith.constant 0 : i32
      %dma_start3A_711 = arith.constant 0 : i32
      %dma_start3A_712 = arith.constant 0 : i32
      %dma_start3A_713 = tpu.memref_slice %arg6[%dma_start3A_710, %dma_start3A_711, %dma_start3A_712] : memref<2x1024x16xf32, #tpu.memory_space<vmem>> -> memref<1x1024x16xf32, #tpu.memory_space<vmem>>
      %dma_start3A_714 = tpu.memref_squeeze %dma_start3A_713 : memref<1x1024x16xf32, #tpu.memory_space<vmem>> -> memref<1024x16xf32, #tpu.memory_space<vmem>>
      %dma_start3A_715 = arith.constant 896 : i32
      %dma_start3A_716 = arith.constant 0 : i32
      %dma_start3A_717 = tpu.memref_slice %dma_start3A_714[%dma_start3A_715, %dma_start3A_716] : memref<1024x16xf32, #tpu.memory_space<vmem>> -> memref<128x16xf32, #tpu.memory_space<vmem>>
      %dma_start3A_718 = arith.constant 0 : i32
      %dma_start3A_719 = arith.constant 0 : i32
      %dma_start3A_720 = tpu.memref_slice %arg5[%dma_start3A_708, %dma_start3A_718, %dma_start3A_719] : memref<2x8x128xi32, #tpu.memory_space<vmem>> -> memref<1x8x128xi32, #tpu.memory_space<vmem>>
      %dma_start3A_721 = tpu.memref_squeeze %dma_start3A_720 : memref<1x8x128xi32, #tpu.memory_space<vmem>> -> memref<8x128xi32, #tpu.memory_space<vmem>>
      %dma_start3A_722 = arith.constant 0 : i32
      %dma_start3A_723 = tpu.memref_slice %dma_start3A_721[%dma_start3A_709, %dma_start3A_722] : memref<8x128xi32, #tpu.memory_space<vmem>> -> memref<1x128xi32, #tpu.memory_space<vmem>>
      %dma_start3A_724 = tpu.memref_squeeze %dma_start3A_723 : memref<1x128xi32, #tpu.memory_space<vmem>> -> memref<128xi32, #tpu.memory_space<vmem>>
      %dma_start3A_725 = arith.constant 0 : i32
      %dma_start3A_726 = arith.constant 0 : i32
      %dma_start3A_727 = tpu.memref_slice %arg3[%dma_start3A_725, %dma_start3A_726] : memref<1007616x16xf32, #tpu.memory_space<hbm>> -> memref<1007616x16xf32, #tpu.memory_space<hbm>>
      tpu.enqueue_indirect_dma source(%dma_start3A_727 : memref<1007616x16xf32, #tpu.memory_space<hbm>>) target(%dma_start3A_717 : memref<128x16xf32, #tpu.memory_space<vmem>>) offsets(%dma_start3A_724 : memref<128xi32, #tpu.memory_space<vmem>>) semaphore(%arg7 : memref<!tpu.dma_semaphore, #tpu.memory_space<semaphore_mem>>)
      %add3A_728 = arith.constant 1 : i32
      %add3A_729 = arith.addi %add3A_374, %add3A_728 : i32
      %dma_wait3A_730 = arith.constant 1 : i32
      %dma_wait3A_731 = arith.constant 0 : i32
      %dma_wait3A_732 = arith.constant 0 : i32
      %dma_wait3A_733 = tpu.memref_slice %arg6[%dma_wait3A_730, %dma_wait3A_731, %dma_wait3A_732] : memref<2x1024x16xf32, #tpu.memory_space<vmem>> -> memref<1x1024x16xf32, #tpu.memory_space<vmem>>
      %dma_wait3A_734 = tpu.memref_squeeze %dma_wait3A_733 : memref<1x1024x16xf32, #tpu.memory_space<vmem>> -> memref<1024x16xf32, #tpu.memory_space<vmem>>
      %dma_wait3A_735 = arith.constant 0 : i32
      %dma_wait3A_736 = arith.constant 0 : i32
      %dma_wait3A_737 = tpu.memref_slice %arg3[%dma_wait3A_735, %dma_wait3A_736] : memref<1007616x16xf32, #tpu.memory_space<hbm>> -> memref<1024x16xf32, #tpu.memory_space<hbm>>
      %dma_wait3A_738 = arith.constant 0 : i32
      %dma_wait3A_739 = arith.constant 0 : i32
      %dma_wait3A_740 = tpu.memref_slice %arg6[%dma_wait3A_730, %dma_wait3A_738, %dma_wait3A_739] : memref<2x1024x16xf32, #tpu.memory_space<vmem>> -> memref<1x1024x16xf32, #tpu.memory_space<vmem>>
      %dma_wait3A_741 = tpu.memref_squeeze %dma_wait3A_740 : memref<1x1024x16xf32, #tpu.memory_space<vmem>> -> memref<1024x16xf32, #tpu.memory_space<vmem>>
      %dma_wait3A_742 = arith.constant 0 : i32
      %dma_wait3A_743 = arith.constant 0 : i32
      %dma_wait3A_744 = tpu.memref_slice %arg3[%dma_wait3A_742, %dma_wait3A_743] : memref<1007616x16xf32, #tpu.memory_space<hbm>> -> memref<1024x16xf32, #tpu.memory_space<hbm>>
      tpu.wait_dma2 semaphore(%arg8 : memref<!tpu.dma_semaphore, #tpu.memory_space<semaphore_mem>>) src(%dma_wait3A_744 : memref<1024x16xf32, #tpu.memory_space<hbm>>) dst(%dma_wait3A_741 : memref<1024x16xf32, #tpu.memory_space<vmem>>)
      %mul3A_745 = arith.constant 8 : i32
      %mul3A_746 = arith.muli %add3A_729, %mul3A_745 : i32
      %add3A_747 = arith.addi %mul3A_2, %mul3A_746 : i32
      %mul3A_748 = arith.constant 128 : i32
      %mul3A_749 = arith.muli %add3A_747, %mul3A_748 : i32
      %run_scoped3A_750 = arith.constant 1 : i32
      "tpu.region"() ({
        %run_scoped3A_751 = tpu.sem_alloc : memref<!tpu.dma_semaphore, #tpu.memory_space<semaphore_mem>>
        %dma_start3A_752 = arith.constant 0 : i32
        %dma_start3A_753 = arith.constant 0 : i32
        %dma_start3A_754 = tpu.memref_slice %arg6[%run_scoped3A_750, %dma_start3A_752, %dma_start3A_753] : memref<2x1024x16xf32, #tpu.memory_space<vmem>> -> memref<1x1024x16xf32, #tpu.memory_space<vmem>>
        %dma_start3A_755 = tpu.memref_squeeze %dma_start3A_754 : memref<1x1024x16xf32, #tpu.memory_space<vmem>> -> memref<1024x16xf32, #tpu.memory_space<vmem>>
        %dma_start3A_756 = arith.constant 0 : i32
        %dma_start3A_757 = tpu.memref_slice %arg4[%mul3A_749, %dma_start3A_756] : memref<917504x16xf32, #tpu.memory_space<hbm>> -> memref<1024x16xf32, #tpu.memory_space<hbm>>
        %dma_start3A_758 = arith.constant 0 : i32
        %dma_start3A_759 = tpu.memref_slice %arg4[%mul3A_749, %dma_start3A_758] : memref<917504x16xf32, #tpu.memory_space<hbm>> -> memref<1024x16xf32, #tpu.memory_space<hbm>>
        %dma_start3A_760 = arith.constant 0 : i32
        %dma_start3A_761 = arith.constant 0 : i32
        %dma_start3A_762 = tpu.memref_slice %arg6[%run_scoped3A_750, %dma_start3A_760, %dma_start3A_761] : memref<2x1024x16xf32, #tpu.memory_space<vmem>> -> memref<1x1024x16xf32, #tpu.memory_space<vmem>>
        %dma_start3A_763 = tpu.memref_squeeze %dma_start3A_762 : memref<1x1024x16xf32, #tpu.memory_space<vmem>> -> memref<1024x16xf32, #tpu.memory_space<vmem>>
        tpu.enqueue_dma source(%dma_start3A_763 : memref<1024x16xf32, #tpu.memory_space<vmem>>) target(%dma_start3A_759 : memref<1024x16xf32, #tpu.memory_space<hbm>>) target_semaphore(%run_scoped3A_751 : memref<!tpu.dma_semaphore, #tpu.memory_space<semaphore_mem>>)
        %dma_wait3A_764 = arith.constant 0 : i32
        %dma_wait3A_765 = arith.constant 0 : i32
        %dma_wait3A_766 = tpu.memref_slice %arg6[%run_scoped3A_750, %dma_wait3A_764, %dma_wait3A_765] : memref<2x1024x16xf32, #tpu.memory_space<vmem>> -> memref<1x1024x16xf32, #tpu.memory_space<vmem>>
        %dma_wait3A_767 = tpu.memref_squeeze %dma_wait3A_766 : memref<1x1024x16xf32, #tpu.memory_space<vmem>> -> memref<1024x16xf32, #tpu.memory_space<vmem>>
        %dma_wait3A_768 = arith.constant 0 : i32
        %dma_wait3A_769 = tpu.memref_slice %arg4[%mul3A_749, %dma_wait3A_768] : memref<917504x16xf32, #tpu.memory_space<hbm>> -> memref<1024x16xf32, #tpu.memory_space<hbm>>
        %dma_wait3A_770 = arith.constant 0 : i32
        %dma_wait3A_771 = tpu.memref_slice %arg4[%mul3A_749, %dma_wait3A_770] : memref<917504x16xf32, #tpu.memory_space<hbm>> -> memref<1024x16xf32, #tpu.memory_space<hbm>>
        %dma_wait3A_772 = arith.constant 0 : i32
        %dma_wait3A_773 = arith.constant 0 : i32
        %dma_wait3A_774 = tpu.memref_slice %arg6[%run_scoped3A_750, %dma_wait3A_772, %dma_wait3A_773] : memref<2x1024x16xf32, #tpu.memory_space<vmem>> -> memref<1x1024x16xf32, #tpu.memory_space<vmem>>
        %dma_wait3A_775 = tpu.memref_squeeze %dma_wait3A_774 : memref<1x1024x16xf32, #tpu.memory_space<vmem>> -> memref<1024x16xf32, #tpu.memory_space<vmem>>
        tpu.wait_dma2 semaphore(%run_scoped3A_751 : memref<!tpu.dma_semaphore, #tpu.memory_space<semaphore_mem>>) src(%dma_wait3A_775 : memref<1024x16xf32, #tpu.memory_space<vmem>>) dst(%dma_wait3A_771 : memref<1024x16xf32, #tpu.memory_space<hbm>>)
        tpu.yield
      }) : () -> ()
    }
    %scan3A_167 = arith.constant 13 : i32
    %add3A_168 = arith.constant 216 : i32
    %add3A_169 = arith.addi %mul3A_2, %add3A_168 : i32
    %run_scoped3A_170 = arith.constant 1 : i32
    "tpu.region"() ({
      %run_scoped3A_370 = tpu.sem_alloc : memref<!tpu.dma_semaphore, #tpu.memory_space<semaphore_mem>>
      %dma_start3A_371 = arith.constant 0 : i32
      %dma_start3A_372 = arith.constant 0 : i32
      %dma_start3A_373 = tpu.memref_slice %arg5[%run_scoped3A_170, %dma_start3A_371, %dma_start3A_372] : memref<2x8x128xi32, #tpu.memory_space<vmem>> -> memref<1x8x128xi32, #tpu.memory_space<vmem>>
      %dma_start3A_374 = tpu.memref_squeeze %dma_start3A_373 : memref<1x8x128xi32, #tpu.memory_space<vmem>> -> memref<8x128xi32, #tpu.memory_space<vmem>>
      %dma_start3A_375 = arith.constant 0 : i32
      %dma_start3A_376 = tpu.memref_slice %arg2[%add3A_169, %dma_start3A_375] : memref<7168x128xi32, #tpu.memory_space<hbm>> -> memref<8x128xi32, #tpu.memory_space<hbm>>
      %dma_start3A_377 = arith.constant 0 : i32
      %dma_start3A_378 = arith.constant 0 : i32
      %dma_start3A_379 = tpu.memref_slice %arg5[%run_scoped3A_170, %dma_start3A_377, %dma_start3A_378] : memref<2x8x128xi32, #tpu.memory_space<vmem>> -> memref<1x8x128xi32, #tpu.memory_space<vmem>>
      %dma_start3A_380 = tpu.memref_squeeze %dma_start3A_379 : memref<1x8x128xi32, #tpu.memory_space<vmem>> -> memref<8x128xi32, #tpu.memory_space<vmem>>
      %dma_start3A_381 = arith.constant 0 : i32
      %dma_start3A_382 = tpu.memref_slice %arg2[%add3A_169, %dma_start3A_381] : memref<7168x128xi32, #tpu.memory_space<hbm>> -> memref<8x128xi32, #tpu.memory_space<hbm>>
      tpu.enqueue_dma source(%dma_start3A_382 : memref<8x128xi32, #tpu.memory_space<hbm>>) target(%dma_start3A_380 : memref<8x128xi32, #tpu.memory_space<vmem>>) target_semaphore(%run_scoped3A_370 : memref<!tpu.dma_semaphore, #tpu.memory_space<semaphore_mem>>)
      %dma_wait3A_383 = arith.constant 0 : i32
      %dma_wait3A_384 = arith.constant 0 : i32
      %dma_wait3A_385 = tpu.memref_slice %arg5[%run_scoped3A_170, %dma_wait3A_383, %dma_wait3A_384] : memref<2x8x128xi32, #tpu.memory_space<vmem>> -> memref<1x8x128xi32, #tpu.memory_space<vmem>>
      %dma_wait3A_386 = tpu.memref_squeeze %dma_wait3A_385 : memref<1x8x128xi32, #tpu.memory_space<vmem>> -> memref<8x128xi32, #tpu.memory_space<vmem>>
      %dma_wait3A_387 = arith.constant 0 : i32
      %dma_wait3A_388 = tpu.memref_slice %arg2[%add3A_169, %dma_wait3A_387] : memref<7168x128xi32, #tpu.memory_space<hbm>> -> memref<8x128xi32, #tpu.memory_space<hbm>>
      %dma_wait3A_389 = arith.constant 0 : i32
      %dma_wait3A_390 = arith.constant 0 : i32
      %dma_wait3A_391 = tpu.memref_slice %arg5[%run_scoped3A_170, %dma_wait3A_389, %dma_wait3A_390] : memref<2x8x128xi32, #tpu.memory_space<vmem>> -> memref<1x8x128xi32, #tpu.memory_space<vmem>>
      %dma_wait3A_392 = tpu.memref_squeeze %dma_wait3A_391 : memref<1x8x128xi32, #tpu.memory_space<vmem>> -> memref<8x128xi32, #tpu.memory_space<vmem>>
      %dma_wait3A_393 = arith.constant 0 : i32
      %dma_wait3A_394 = tpu.memref_slice %arg2[%add3A_169, %dma_wait3A_393] : memref<7168x128xi32, #tpu.memory_space<hbm>> -> memref<8x128xi32, #tpu.memory_space<hbm>>
      tpu.wait_dma2 semaphore(%run_scoped3A_370 : memref<!tpu.dma_semaphore, #tpu.memory_space<semaphore_mem>>) src(%dma_wait3A_394 : memref<8x128xi32, #tpu.memory_space<hbm>>) dst(%dma_wait3A_392 : memref<8x128xi32, #tpu.memory_space<vmem>>)
      tpu.yield
    }) : () -> ()
    %dma_start3A_171 = arith.constant 1 : i32
    %dma_start3A_172 = arith.constant 0 : i32
    %dma_start3A_173 = arith.constant 1 : i32
    %dma_start3A_174 = arith.constant 0 : i32
    %dma_start3A_175 = arith.constant 0 : i32
    %dma_start3A_176 = tpu.memref_slice %arg6[%dma_start3A_173, %dma_start3A_174, %dma_start3A_175] : memref<2x1024x16xf32, #tpu.memory_space<vmem>> -> memref<1x1024x16xf32, #tpu.memory_space<vmem>>
    %dma_start3A_177 = tpu.memref_squeeze %dma_start3A_176 : memref<1x1024x16xf32, #tpu.memory_space<vmem>> -> memref<1024x16xf32, #tpu.memory_space<vmem>>
    %dma_start3A_178 = arith.constant 0 : i32
    %dma_start3A_179 = arith.constant 0 : i32
    %dma_start3A_180 = tpu.memref_slice %dma_start3A_177[%dma_start3A_178, %dma_start3A_179] : memref<1024x16xf32, #tpu.memory_space<vmem>> -> memref<128x16xf32, #tpu.memory_space<vmem>>
    %dma_start3A_181 = arith.constant 0 : i32
    %dma_start3A_182 = arith.constant 0 : i32
    %dma_start3A_183 = tpu.memref_slice %arg5[%dma_start3A_171, %dma_start3A_181, %dma_start3A_182] : memref<2x8x128xi32, #tpu.memory_space<vmem>> -> memref<1x8x128xi32, #tpu.memory_space<vmem>>
    %dma_start3A_184 = tpu.memref_squeeze %dma_start3A_183 : memref<1x8x128xi32, #tpu.memory_space<vmem>> -> memref<8x128xi32, #tpu.memory_space<vmem>>
    %dma_start3A_185 = arith.constant 0 : i32
    %dma_start3A_186 = tpu.memref_slice %dma_start3A_184[%dma_start3A_172, %dma_start3A_185] : memref<8x128xi32, #tpu.memory_space<vmem>> -> memref<1x128xi32, #tpu.memory_space<vmem>>
    %dma_start3A_187 = tpu.memref_squeeze %dma_start3A_186 : memref<1x128xi32, #tpu.memory_space<vmem>> -> memref<128xi32, #tpu.memory_space<vmem>>
    %dma_start3A_188 = arith.constant 0 : i32
    %dma_start3A_189 = arith.constant 0 : i32
    %dma_start3A_190 = tpu.memref_slice %arg3[%dma_start3A_188, %dma_start3A_189] : memref<1007616x16xf32, #tpu.memory_space<hbm>> -> memref<1007616x16xf32, #tpu.memory_space<hbm>>
    tpu.enqueue_indirect_dma source(%dma_start3A_190 : memref<1007616x16xf32, #tpu.memory_space<hbm>>) target(%dma_start3A_180 : memref<128x16xf32, #tpu.memory_space<vmem>>) offsets(%dma_start3A_187 : memref<128xi32, #tpu.memory_space<vmem>>) semaphore(%arg8 : memref<!tpu.dma_semaphore, #tpu.memory_space<semaphore_mem>>)
    %dma_start3A_191 = arith.constant 1 : i32
    %dma_start3A_192 = arith.constant 1 : i32
    %dma_start3A_193 = arith.constant 1 : i32
    %dma_start3A_194 = arith.constant 0 : i32
    %dma_start3A_195 = arith.constant 0 : i32
    %dma_start3A_196 = tpu.memref_slice %arg6[%dma_start3A_193, %dma_start3A_194, %dma_start3A_195] : memref<2x1024x16xf32, #tpu.memory_space<vmem>> -> memref<1x1024x16xf32, #tpu.memory_space<vmem>>
    %dma_start3A_197 = tpu.memref_squeeze %dma_start3A_196 : memref<1x1024x16xf32, #tpu.memory_space<vmem>> -> memref<1024x16xf32, #tpu.memory_space<vmem>>
    %dma_start3A_198 = arith.constant 128 : i32
    %dma_start3A_199 = arith.constant 0 : i32
    %dma_start3A_200 = tpu.memref_slice %dma_start3A_197[%dma_start3A_198, %dma_start3A_199] : memref<1024x16xf32, #tpu.memory_space<vmem>> -> memref<128x16xf32, #tpu.memory_space<vmem>>
    %dma_start3A_201 = arith.constant 0 : i32
    %dma_start3A_202 = arith.constant 0 : i32
    %dma_start3A_203 = tpu.memref_slice %arg5[%dma_start3A_191, %dma_start3A_201, %dma_start3A_202] : memref<2x8x128xi32, #tpu.memory_space<vmem>> -> memref<1x8x128xi32, #tpu.memory_space<vmem>>
    %dma_start3A_204 = tpu.memref_squeeze %dma_start3A_203 : memref<1x8x128xi32, #tpu.memory_space<vmem>> -> memref<8x128xi32, #tpu.memory_space<vmem>>
    %dma_start3A_205 = arith.constant 0 : i32
    %dma_start3A_206 = tpu.memref_slice %dma_start3A_204[%dma_start3A_192, %dma_start3A_205] : memref<8x128xi32, #tpu.memory_space<vmem>> -> memref<1x128xi32, #tpu.memory_space<vmem>>
    %dma_start3A_207 = tpu.memref_squeeze %dma_start3A_206 : memref<1x128xi32, #tpu.memory_space<vmem>> -> memref<128xi32, #tpu.memory_space<vmem>>
    %dma_start3A_208 = arith.constant 0 : i32
    %dma_start3A_209 = arith.constant 0 : i32
    %dma_start3A_210 = tpu.memref_slice %arg3[%dma_start3A_208, %dma_start3A_209] : memref<1007616x16xf32, #tpu.memory_space<hbm>> -> memref<1007616x16xf32, #tpu.memory_space<hbm>>
    tpu.enqueue_indirect_dma source(%dma_start3A_210 : memref<1007616x16xf32, #tpu.memory_space<hbm>>) target(%dma_start3A_200 : memref<128x16xf32, #tpu.memory_space<vmem>>) offsets(%dma_start3A_207 : memref<128xi32, #tpu.memory_space<vmem>>) semaphore(%arg8 : memref<!tpu.dma_semaphore, #tpu.memory_space<semaphore_mem>>)
    %dma_start3A_211 = arith.constant 1 : i32
    %dma_start3A_212 = arith.constant 2 : i32
    %dma_start3A_213 = arith.constant 1 : i32
    %dma_start3A_214 = arith.constant 0 : i32
    %dma_start3A_215 = arith.constant 0 : i32
    %dma_start3A_216 = tpu.memref_slice %arg6[%dma_start3A_213, %dma_start3A_214, %dma_start3A_215] : memref<2x1024x16xf32, #tpu.memory_space<vmem>> -> memref<1x1024x16xf32, #tpu.memory_space<vmem>>
    %dma_start3A_217 = tpu.memref_squeeze %dma_start3A_216 : memref<1x1024x16xf32, #tpu.memory_space<vmem>> -> memref<1024x16xf32, #tpu.memory_space<vmem>>
    %dma_start3A_218 = arith.constant 256 : i32
    %dma_start3A_219 = arith.constant 0 : i32
    %dma_start3A_220 = tpu.memref_slice %dma_start3A_217[%dma_start3A_218, %dma_start3A_219] : memref<1024x16xf32, #tpu.memory_space<vmem>> -> memref<128x16xf32, #tpu.memory_space<vmem>>
    %dma_start3A_221 = arith.constant 0 : i32
    %dma_start3A_222 = arith.constant 0 : i32
    %dma_start3A_223 = tpu.memref_slice %arg5[%dma_start3A_211, %dma_start3A_221, %dma_start3A_222] : memref<2x8x128xi32, #tpu.memory_space<vmem>> -> memref<1x8x128xi32, #tpu.memory_space<vmem>>
    %dma_start3A_224 = tpu.memref_squeeze %dma_start3A_223 : memref<1x8x128xi32, #tpu.memory_space<vmem>> -> memref<8x128xi32, #tpu.memory_space<vmem>>
    %dma_start3A_225 = arith.constant 0 : i32
    %dma_start3A_226 = tpu.memref_slice %dma_start3A_224[%dma_start3A_212, %dma_start3A_225] : memref<8x128xi32, #tpu.memory_space<vmem>> -> memref<1x128xi32, #tpu.memory_space<vmem>>
    %dma_start3A_227 = tpu.memref_squeeze %dma_start3A_226 : memref<1x128xi32, #tpu.memory_space<vmem>> -> memref<128xi32, #tpu.memory_space<vmem>>
    %dma_start3A_228 = arith.constant 0 : i32
    %dma_start3A_229 = arith.constant 0 : i32
    %dma_start3A_230 = tpu.memref_slice %arg3[%dma_start3A_228, %dma_start3A_229] : memref<1007616x16xf32, #tpu.memory_space<hbm>> -> memref<1007616x16xf32, #tpu.memory_space<hbm>>
    tpu.enqueue_indirect_dma source(%dma_start3A_230 : memref<1007616x16xf32, #tpu.memory_space<hbm>>) target(%dma_start3A_220 : memref<128x16xf32, #tpu.memory_space<vmem>>) offsets(%dma_start3A_227 : memref<128xi32, #tpu.memory_space<vmem>>) semaphore(%arg8 : memref<!tpu.dma_semaphore, #tpu.memory_space<semaphore_mem>>)
    %dma_start3A_231 = arith.constant 1 : i32
    %dma_start3A_232 = arith.constant 3 : i32
    %dma_start3A_233 = arith.constant 1 : i32
    %dma_start3A_234 = arith.constant 0 : i32
    %dma_start3A_235 = arith.constant 0 : i32
    %dma_start3A_236 = tpu.memref_slice %arg6[%dma_start3A_233, %dma_start3A_234, %dma_start3A_235] : memref<2x1024x16xf32, #tpu.memory_space<vmem>> -> memref<1x1024x16xf32, #tpu.memory_space<vmem>>
    %dma_start3A_237 = tpu.memref_squeeze %dma_start3A_236 : memref<1x1024x16xf32, #tpu.memory_space<vmem>> -> memref<1024x16xf32, #tpu.memory_space<vmem>>
    %dma_start3A_238 = arith.constant 384 : i32
    %dma_start3A_239 = arith.constant 0 : i32
    %dma_start3A_240 = tpu.memref_slice %dma_start3A_237[%dma_start3A_238, %dma_start3A_239] : memref<1024x16xf32, #tpu.memory_space<vmem>> -> memref<128x16xf32, #tpu.memory_space<vmem>>
    %dma_start3A_241 = arith.constant 0 : i32
    %dma_start3A_242 = arith.constant 0 : i32
    %dma_start3A_243 = tpu.memref_slice %arg5[%dma_start3A_231, %dma_start3A_241, %dma_start3A_242] : memref<2x8x128xi32, #tpu.memory_space<vmem>> -> memref<1x8x128xi32, #tpu.memory_space<vmem>>
    %dma_start3A_244 = tpu.memref_squeeze %dma_start3A_243 : memref<1x8x128xi32, #tpu.memory_space<vmem>> -> memref<8x128xi32, #tpu.memory_space<vmem>>
    %dma_start3A_245 = arith.constant 0 : i32
    %dma_start3A_246 = tpu.memref_slice %dma_start3A_244[%dma_start3A_232, %dma_start3A_245] : memref<8x128xi32, #tpu.memory_space<vmem>> -> memref<1x128xi32, #tpu.memory_space<vmem>>
    %dma_start3A_247 = tpu.memref_squeeze %dma_start3A_246 : memref<1x128xi32, #tpu.memory_space<vmem>> -> memref<128xi32, #tpu.memory_space<vmem>>
    %dma_start3A_248 = arith.constant 0 : i32
    %dma_start3A_249 = arith.constant 0 : i32
    %dma_start3A_250 = tpu.memref_slice %arg3[%dma_start3A_248, %dma_start3A_249] : memref<1007616x16xf32, #tpu.memory_space<hbm>> -> memref<1007616x16xf32, #tpu.memory_space<hbm>>
    tpu.enqueue_indirect_dma source(%dma_start3A_250 : memref<1007616x16xf32, #tpu.memory_space<hbm>>) target(%dma_start3A_240 : memref<128x16xf32, #tpu.memory_space<vmem>>) offsets(%dma_start3A_247 : memref<128xi32, #tpu.memory_space<vmem>>) semaphore(%arg8 : memref<!tpu.dma_semaphore, #tpu.memory_space<semaphore_mem>>)
    %dma_start3A_251 = arith.constant 1 : i32
    %dma_start3A_252 = arith.constant 4 : i32
    %dma_start3A_253 = arith.constant 1 : i32
    %dma_start3A_254 = arith.constant 0 : i32
    %dma_start3A_255 = arith.constant 0 : i32
    %dma_start3A_256 = tpu.memref_slice %arg6[%dma_start3A_253, %dma_start3A_254, %dma_start3A_255] : memref<2x1024x16xf32, #tpu.memory_space<vmem>> -> memref<1x1024x16xf32, #tpu.memory_space<vmem>>
    %dma_start3A_257 = tpu.memref_squeeze %dma_start3A_256 : memref<1x1024x16xf32, #tpu.memory_space<vmem>> -> memref<1024x16xf32, #tpu.memory_space<vmem>>
    %dma_start3A_258 = arith.constant 512 : i32
    %dma_start3A_259 = arith.constant 0 : i32
    %dma_start3A_260 = tpu.memref_slice %dma_start3A_257[%dma_start3A_258, %dma_start3A_259] : memref<1024x16xf32, #tpu.memory_space<vmem>> -> memref<128x16xf32, #tpu.memory_space<vmem>>
    %dma_start3A_261 = arith.constant 0 : i32
    %dma_start3A_262 = arith.constant 0 : i32
    %dma_start3A_263 = tpu.memref_slice %arg5[%dma_start3A_251, %dma_start3A_261, %dma_start3A_262] : memref<2x8x128xi32, #tpu.memory_space<vmem>> -> memref<1x8x128xi32, #tpu.memory_space<vmem>>
    %dma_start3A_264 = tpu.memref_squeeze %dma_start3A_263 : memref<1x8x128xi32, #tpu.memory_space<vmem>> -> memref<8x128xi32, #tpu.memory_space<vmem>>
    %dma_start3A_265 = arith.constant 0 : i32
    %dma_start3A_266 = tpu.memref_slice %dma_start3A_264[%dma_start3A_252, %dma_start3A_265] : memref<8x128xi32, #tpu.memory_space<vmem>> -> memref<1x128xi32, #tpu.memory_space<vmem>>
    %dma_start3A_267 = tpu.memref_squeeze %dma_start3A_266 : memref<1x128xi32, #tpu.memory_space<vmem>> -> memref<128xi32, #tpu.memory_space<vmem>>
    %dma_start3A_268 = arith.constant 0 : i32
    %dma_start3A_269 = arith.constant 0 : i32
    %dma_start3A_270 = tpu.memref_slice %arg3[%dma_start3A_268, %dma_start3A_269] : memref<1007616x16xf32, #tpu.memory_space<hbm>> -> memref<1007616x16xf32, #tpu.memory_space<hbm>>
    tpu.enqueue_indirect_dma source(%dma_start3A_270 : memref<1007616x16xf32, #tpu.memory_space<hbm>>) target(%dma_start3A_260 : memref<128x16xf32, #tpu.memory_space<vmem>>) offsets(%dma_start3A_267 : memref<128xi32, #tpu.memory_space<vmem>>) semaphore(%arg8 : memref<!tpu.dma_semaphore, #tpu.memory_space<semaphore_mem>>)
    %dma_start3A_271 = arith.constant 1 : i32
    %dma_start3A_272 = arith.constant 5 : i32
    %dma_start3A_273 = arith.constant 1 : i32
    %dma_start3A_274 = arith.constant 0 : i32
    %dma_start3A_275 = arith.constant 0 : i32
    %dma_start3A_276 = tpu.memref_slice %arg6[%dma_start3A_273, %dma_start3A_274, %dma_start3A_275] : memref<2x1024x16xf32, #tpu.memory_space<vmem>> -> memref<1x1024x16xf32, #tpu.memory_space<vmem>>
    %dma_start3A_277 = tpu.memref_squeeze %dma_start3A_276 : memref<1x1024x16xf32, #tpu.memory_space<vmem>> -> memref<1024x16xf32, #tpu.memory_space<vmem>>
    %dma_start3A_278 = arith.constant 640 : i32
    %dma_start3A_279 = arith.constant 0 : i32
    %dma_start3A_280 = tpu.memref_slice %dma_start3A_277[%dma_start3A_278, %dma_start3A_279] : memref<1024x16xf32, #tpu.memory_space<vmem>> -> memref<128x16xf32, #tpu.memory_space<vmem>>
    %dma_start3A_281 = arith.constant 0 : i32
    %dma_start3A_282 = arith.constant 0 : i32
    %dma_start3A_283 = tpu.memref_slice %arg5[%dma_start3A_271, %dma_start3A_281, %dma_start3A_282] : memref<2x8x128xi32, #tpu.memory_space<vmem>> -> memref<1x8x128xi32, #tpu.memory_space<vmem>>
    %dma_start3A_284 = tpu.memref_squeeze %dma_start3A_283 : memref<1x8x128xi32, #tpu.memory_space<vmem>> -> memref<8x128xi32, #tpu.memory_space<vmem>>
    %dma_start3A_285 = arith.constant 0 : i32
    %dma_start3A_286 = tpu.memref_slice %dma_start3A_284[%dma_start3A_272, %dma_start3A_285] : memref<8x128xi32, #tpu.memory_space<vmem>> -> memref<1x128xi32, #tpu.memory_space<vmem>>
    %dma_start3A_287 = tpu.memref_squeeze %dma_start3A_286 : memref<1x128xi32, #tpu.memory_space<vmem>> -> memref<128xi32, #tpu.memory_space<vmem>>
    %dma_start3A_288 = arith.constant 0 : i32
    %dma_start3A_289 = arith.constant 0 : i32
    %dma_start3A_290 = tpu.memref_slice %arg3[%dma_start3A_288, %dma_start3A_289] : memref<1007616x16xf32, #tpu.memory_space<hbm>> -> memref<1007616x16xf32, #tpu.memory_space<hbm>>
    tpu.enqueue_indirect_dma source(%dma_start3A_290 : memref<1007616x16xf32, #tpu.memory_space<hbm>>) target(%dma_start3A_280 : memref<128x16xf32, #tpu.memory_space<vmem>>) offsets(%dma_start3A_287 : memref<128xi32, #tpu.memory_space<vmem>>) semaphore(%arg8 : memref<!tpu.dma_semaphore, #tpu.memory_space<semaphore_mem>>)
    %dma_start3A_291 = arith.constant 1 : i32
    %dma_start3A_292 = arith.constant 6 : i32
    %dma_start3A_293 = arith.constant 1 : i32
    %dma_start3A_294 = arith.constant 0 : i32
    %dma_start3A_295 = arith.constant 0 : i32
    %dma_start3A_296 = tpu.memref_slice %arg6[%dma_start3A_293, %dma_start3A_294, %dma_start3A_295] : memref<2x1024x16xf32, #tpu.memory_space<vmem>> -> memref<1x1024x16xf32, #tpu.memory_space<vmem>>
    %dma_start3A_297 = tpu.memref_squeeze %dma_start3A_296 : memref<1x1024x16xf32, #tpu.memory_space<vmem>> -> memref<1024x16xf32, #tpu.memory_space<vmem>>
    %dma_start3A_298 = arith.constant 768 : i32
    %dma_start3A_299 = arith.constant 0 : i32
    %dma_start3A_300 = tpu.memref_slice %dma_start3A_297[%dma_start3A_298, %dma_start3A_299] : memref<1024x16xf32, #tpu.memory_space<vmem>> -> memref<128x16xf32, #tpu.memory_space<vmem>>
    %dma_start3A_301 = arith.constant 0 : i32
    %dma_start3A_302 = arith.constant 0 : i32
    %dma_start3A_303 = tpu.memref_slice %arg5[%dma_start3A_291, %dma_start3A_301, %dma_start3A_302] : memref<2x8x128xi32, #tpu.memory_space<vmem>> -> memref<1x8x128xi32, #tpu.memory_space<vmem>>
    %dma_start3A_304 = tpu.memref_squeeze %dma_start3A_303 : memref<1x8x128xi32, #tpu.memory_space<vmem>> -> memref<8x128xi32, #tpu.memory_space<vmem>>
    %dma_start3A_305 = arith.constant 0 : i32
    %dma_start3A_306 = tpu.memref_slice %dma_start3A_304[%dma_start3A_292, %dma_start3A_305] : memref<8x128xi32, #tpu.memory_space<vmem>> -> memref<1x128xi32, #tpu.memory_space<vmem>>
    %dma_start3A_307 = tpu.memref_squeeze %dma_start3A_306 : memref<1x128xi32, #tpu.memory_space<vmem>> -> memref<128xi32, #tpu.memory_space<vmem>>
    %dma_start3A_308 = arith.constant 0 : i32
    %dma_start3A_309 = arith.constant 0 : i32
    %dma_start3A_310 = tpu.memref_slice %arg3[%dma_start3A_308, %dma_start3A_309] : memref<1007616x16xf32, #tpu.memory_space<hbm>> -> memref<1007616x16xf32, #tpu.memory_space<hbm>>
    tpu.enqueue_indirect_dma source(%dma_start3A_310 : memref<1007616x16xf32, #tpu.memory_space<hbm>>) target(%dma_start3A_300 : memref<128x16xf32, #tpu.memory_space<vmem>>) offsets(%dma_start3A_307 : memref<128xi32, #tpu.memory_space<vmem>>) semaphore(%arg8 : memref<!tpu.dma_semaphore, #tpu.memory_space<semaphore_mem>>)
    %dma_start3A_311 = arith.constant 1 : i32
    %dma_start3A_312 = arith.constant 7 : i32
    %dma_start3A_313 = arith.constant 1 : i32
    %dma_start3A_314 = arith.constant 0 : i32
    %dma_start3A_315 = arith.constant 0 : i32
    %dma_start3A_316 = tpu.memref_slice %arg6[%dma_start3A_313, %dma_start3A_314, %dma_start3A_315] : memref<2x1024x16xf32, #tpu.memory_space<vmem>> -> memref<1x1024x16xf32, #tpu.memory_space<vmem>>
    %dma_start3A_317 = tpu.memref_squeeze %dma_start3A_316 : memref<1x1024x16xf32, #tpu.memory_space<vmem>> -> memref<1024x16xf32, #tpu.memory_space<vmem>>
    %dma_start3A_318 = arith.constant 896 : i32
    %dma_start3A_319 = arith.constant 0 : i32
    %dma_start3A_320 = tpu.memref_slice %dma_start3A_317[%dma_start3A_318, %dma_start3A_319] : memref<1024x16xf32, #tpu.memory_space<vmem>> -> memref<128x16xf32, #tpu.memory_space<vmem>>
    %dma_start3A_321 = arith.constant 0 : i32
    %dma_start3A_322 = arith.constant 0 : i32
    %dma_start3A_323 = tpu.memref_slice %arg5[%dma_start3A_311, %dma_start3A_321, %dma_start3A_322] : memref<2x8x128xi32, #tpu.memory_space<vmem>> -> memref<1x8x128xi32, #tpu.memory_space<vmem>>
    %dma_start3A_324 = tpu.memref_squeeze %dma_start3A_323 : memref<1x8x128xi32, #tpu.memory_space<vmem>> -> memref<8x128xi32, #tpu.memory_space<vmem>>
    %dma_start3A_325 = arith.constant 0 : i32
    %dma_start3A_326 = tpu.memref_slice %dma_start3A_324[%dma_start3A_312, %dma_start3A_325] : memref<8x128xi32, #tpu.memory_space<vmem>> -> memref<1x128xi32, #tpu.memory_space<vmem>>
    %dma_start3A_327 = tpu.memref_squeeze %dma_start3A_326 : memref<1x128xi32, #tpu.memory_space<vmem>> -> memref<128xi32, #tpu.memory_space<vmem>>
    %dma_start3A_328 = arith.constant 0 : i32
    %dma_start3A_329 = arith.constant 0 : i32
    %dma_start3A_330 = tpu.memref_slice %arg3[%dma_start3A_328, %dma_start3A_329] : memref<1007616x16xf32, #tpu.memory_space<hbm>> -> memref<1007616x16xf32, #tpu.memory_space<hbm>>
    tpu.enqueue_indirect_dma source(%dma_start3A_330 : memref<1007616x16xf32, #tpu.memory_space<hbm>>) target(%dma_start3A_320 : memref<128x16xf32, #tpu.memory_space<vmem>>) offsets(%dma_start3A_327 : memref<128xi32, #tpu.memory_space<vmem>>) semaphore(%arg8 : memref<!tpu.dma_semaphore, #tpu.memory_space<semaphore_mem>>)
    %dma_wait3A = arith.constant 0 : i32
    %dma_wait3A_331 = arith.constant 0 : i32
    %dma_wait3A_332 = arith.constant 0 : i32
    %dma_wait3A_333 = tpu.memref_slice %arg6[%dma_wait3A, %dma_wait3A_331, %dma_wait3A_332] : memref<2x1024x16xf32, #tpu.memory_space<vmem>> -> memref<1x1024x16xf32, #tpu.memory_space<vmem>>
    %dma_wait3A_334 = tpu.memref_squeeze %dma_wait3A_333 : memref<1x1024x16xf32, #tpu.memory_space<vmem>> -> memref<1024x16xf32, #tpu.memory_space<vmem>>
    %dma_wait3A_335 = arith.constant 0 : i32
    %dma_wait3A_336 = arith.constant 0 : i32
    %dma_wait3A_337 = tpu.memref_slice %arg3[%dma_wait3A_335, %dma_wait3A_336] : memref<1007616x16xf32, #tpu.memory_space<hbm>> -> memref<1024x16xf32, #tpu.memory_space<hbm>>
    %dma_wait3A_338 = arith.constant 0 : i32
    %dma_wait3A_339 = arith.constant 0 : i32
    %dma_wait3A_340 = tpu.memref_slice %arg6[%dma_wait3A, %dma_wait3A_338, %dma_wait3A_339] : memref<2x1024x16xf32, #tpu.memory_space<vmem>> -> memref<1x1024x16xf32, #tpu.memory_space<vmem>>
    %dma_wait3A_341 = tpu.memref_squeeze %dma_wait3A_340 : memref<1x1024x16xf32, #tpu.memory_space<vmem>> -> memref<1024x16xf32, #tpu.memory_space<vmem>>
    %dma_wait3A_342 = arith.constant 0 : i32
    %dma_wait3A_343 = arith.constant 0 : i32
    %dma_wait3A_344 = tpu.memref_slice %arg3[%dma_wait3A_342, %dma_wait3A_343] : memref<1007616x16xf32, #tpu.memory_space<hbm>> -> memref<1024x16xf32, #tpu.memory_space<hbm>>
    tpu.wait_dma2 semaphore(%arg7 : memref<!tpu.dma_semaphore, #tpu.memory_space<semaphore_mem>>) src(%dma_wait3A_344 : memref<1024x16xf32, #tpu.memory_space<hbm>>) dst(%dma_wait3A_341 : memref<1024x16xf32, #tpu.memory_space<vmem>>)
    %add3A_345 = arith.constant 208 : i32
    %add3A_346 = arith.addi %mul3A_2, %add3A_345 : i32
    %mul3A_347 = arith.constant 128 : i32
    %mul3A_348 = arith.muli %add3A_346, %mul3A_347 : i32
    %run_scoped3A_349 = arith.constant 0 : i32
    "tpu.region"() ({
      %run_scoped3A_370 = tpu.sem_alloc : memref<!tpu.dma_semaphore, #tpu.memory_space<semaphore_mem>>
      %dma_start3A_371 = arith.constant 0 : i32
      %dma_start3A_372 = arith.constant 0 : i32
      %dma_start3A_373 = tpu.memref_slice %arg6[%run_scoped3A_349, %dma_start3A_371, %dma_start3A_372] : memref<2x1024x16xf32, #tpu.memory_space<vmem>> -> memref<1x1024x16xf32, #tpu.memory_space<vmem>>
      %dma_start3A_374 = tpu.memref_squeeze %dma_start3A_373 : memref<1x1024x16xf32, #tpu.memory_space<vmem>> -> memref<1024x16xf32, #tpu.memory_space<vmem>>
      %dma_start3A_375 = arith.constant 0 : i32
      %dma_start3A_376 = tpu.memref_slice %arg4[%mul3A_348, %dma_start3A_375] : memref<917504x16xf32, #tpu.memory_space<hbm>> -> memref<1024x16xf32, #tpu.memory_space<hbm>>
      %dma_start3A_377 = arith.constant 0 : i32
      %dma_start3A_378 = tpu.memref_slice %arg4[%mul3A_348, %dma_start3A_377] : memref<917504x16xf32, #tpu.memory_space<hbm>> -> memref<1024x16xf32, #tpu.memory_space<hbm>>
      %dma_start3A_379 = arith.constant 0 : i32
      %dma_start3A_380 = arith.constant 0 : i32
      %dma_start3A_381 = tpu.memref_slice %arg6[%run_scoped3A_349, %dma_start3A_379, %dma_start3A_380] : memref<2x1024x16xf32, #tpu.memory_space<vmem>> -> memref<1x1024x16xf32, #tpu.memory_space<vmem>>
      %dma_start3A_382 = tpu.memref_squeeze %dma_start3A_381 : memref<1x1024x16xf32, #tpu.memory_space<vmem>> -> memref<1024x16xf32, #tpu.memory_space<vmem>>
      tpu.enqueue_dma source(%dma_start3A_382 : memref<1024x16xf32, #tpu.memory_space<vmem>>) target(%dma_start3A_378 : memref<1024x16xf32, #tpu.memory_space<hbm>>) target_semaphore(%run_scoped3A_370 : memref<!tpu.dma_semaphore, #tpu.memory_space<semaphore_mem>>)
      %dma_wait3A_383 = arith.constant 0 : i32
      %dma_wait3A_384 = arith.constant 0 : i32
      %dma_wait3A_385 = tpu.memref_slice %arg6[%run_scoped3A_349, %dma_wait3A_383, %dma_wait3A_384] : memref<2x1024x16xf32, #tpu.memory_space<vmem>> -> memref<1x1024x16xf32, #tpu.memory_space<vmem>>
      %dma_wait3A_386 = tpu.memref_squeeze %dma_wait3A_385 : memref<1x1024x16xf32, #tpu.memory_space<vmem>> -> memref<1024x16xf32, #tpu.memory_space<vmem>>
      %dma_wait3A_387 = arith.constant 0 : i32
      %dma_wait3A_388 = tpu.memref_slice %arg4[%mul3A_348, %dma_wait3A_387] : memref<917504x16xf32, #tpu.memory_space<hbm>> -> memref<1024x16xf32, #tpu.memory_space<hbm>>
      %dma_wait3A_389 = arith.constant 0 : i32
      %dma_wait3A_390 = tpu.memref_slice %arg4[%mul3A_348, %dma_wait3A_389] : memref<917504x16xf32, #tpu.memory_space<hbm>> -> memref<1024x16xf32, #tpu.memory_space<hbm>>
      %dma_wait3A_391 = arith.constant 0 : i32
      %dma_wait3A_392 = arith.constant 0 : i32
      %dma_wait3A_393 = tpu.memref_slice %arg6[%run_scoped3A_349, %dma_wait3A_391, %dma_wait3A_392] : memref<2x1024x16xf32, #tpu.memory_space<vmem>> -> memref<1x1024x16xf32, #tpu.memory_space<vmem>>
      %dma_wait3A_394 = tpu.memref_squeeze %dma_wait3A_393 : memref<1x1024x16xf32, #tpu.memory_space<vmem>> -> memref<1024x16xf32, #tpu.memory_space<vmem>>
      tpu.wait_dma2 semaphore(%run_scoped3A_370 : memref<!tpu.dma_semaphore, #tpu.memory_space<semaphore_mem>>) src(%dma_wait3A_394 : memref<1024x16xf32, #tpu.memory_space<vmem>>) dst(%dma_wait3A_390 : memref<1024x16xf32, #tpu.memory_space<hbm>>)
      tpu.yield
    }) : () -> ()
    %dma_wait3A_350 = arith.constant 1 : i32
    %dma_wait3A_351 = arith.constant 0 : i32
    %dma_wait3A_352 = arith.constant 0 : i32
    %dma_wait3A_353 = tpu.memref_slice %arg6[%dma_wait3A_350, %dma_wait3A_351, %dma_wait3A_352] : memref<2x1024x16xf32, #tpu.memory_space<vmem>> -> memref<1x1024x16xf32, #tpu.memory_space<vmem>>
    %dma_wait3A_354 = tpu.memref_squeeze %dma_wait3A_353 : memref<1x1024x16xf32, #tpu.memory_space<vmem>> -> memref<1024x16xf32, #tpu.memory_space<vmem>>
    %dma_wait3A_355 = arith.constant 0 : i32
    %dma_wait3A_356 = arith.constant 0 : i32
    %dma_wait3A_357 = tpu.memref_slice %arg3[%dma_wait3A_355, %dma_wait3A_356] : memref<1007616x16xf32, #tpu.memory_space<hbm>> -> memref<1024x16xf32, #tpu.memory_space<hbm>>
    %dma_wait3A_358 = arith.constant 0 : i32
    %dma_wait3A_359 = arith.constant 0 : i32
    %dma_wait3A_360 = tpu.memref_slice %arg6[%dma_wait3A_350, %dma_wait3A_358, %dma_wait3A_359] : memref<2x1024x16xf32, #tpu.memory_space<vmem>> -> memref<1x1024x16xf32, #tpu.memory_space<vmem>>
    %dma_wait3A_361 = tpu.memref_squeeze %dma_wait3A_360 : memref<1x1024x16xf32, #tpu.memory_space<vmem>> -> memref<1024x16xf32, #tpu.memory_space<vmem>>
    %dma_wait3A_362 = arith.constant 0 : i32
    %dma_wait3A_363 = arith.constant 0 : i32
    %dma_wait3A_364 = tpu.memref_slice %arg3[%dma_wait3A_362, %dma_wait3A_363] : memref<1007616x16xf32, #tpu.memory_space<hbm>> -> memref<1024x16xf32, #tpu.memory_space<hbm>>
    tpu.wait_dma2 semaphore(%arg8 : memref<!tpu.dma_semaphore, #tpu.memory_space<semaphore_mem>>) src(%dma_wait3A_364 : memref<1024x16xf32, #tpu.memory_space<hbm>>) dst(%dma_wait3A_361 : memref<1024x16xf32, #tpu.memory_space<vmem>>)
    %add3A_365 = arith.constant 216 : i32
    %add3A_366 = arith.addi %mul3A_2, %add3A_365 : i32
    %mul3A_367 = arith.constant 128 : i32
    %mul3A_368 = arith.muli %add3A_366, %mul3A_367 : i32
    %run_scoped3A_369 = arith.constant 1 : i32
    "tpu.region"() ({
      %run_scoped3A_370 = tpu.sem_alloc : memref<!tpu.dma_semaphore, #tpu.memory_space<semaphore_mem>>
      %dma_start3A_371 = arith.constant 0 : i32
      %dma_start3A_372 = arith.constant 0 : i32
      %dma_start3A_373 = tpu.memref_slice %arg6[%run_scoped3A_369, %dma_start3A_371, %dma_start3A_372] : memref<2x1024x16xf32, #tpu.memory_space<vmem>> -> memref<1x1024x16xf32, #tpu.memory_space<vmem>>
      %dma_start3A_374 = tpu.memref_squeeze %dma_start3A_373 : memref<1x1024x16xf32, #tpu.memory_space<vmem>> -> memref<1024x16xf32, #tpu.memory_space<vmem>>
      %dma_start3A_375 = arith.constant 0 : i32
      %dma_start3A_376 = tpu.memref_slice %arg4[%mul3A_368, %dma_start3A_375] : memref<917504x16xf32, #tpu.memory_space<hbm>> -> memref<1024x16xf32, #tpu.memory_space<hbm>>
      %dma_start3A_377 = arith.constant 0 : i32
      %dma_start3A_378 = tpu.memref_slice %arg4[%mul3A_368, %dma_start3A_377] : memref<917504x16xf32, #tpu.memory_space<hbm>> -> memref<1024x16xf32, #tpu.memory_space<hbm>>
      %dma_start3A_379 = arith.constant 0 : i32
      %dma_start3A_380 = arith.constant 0 : i32
      %dma_start3A_381 = tpu.memref_slice %arg6[%run_scoped3A_369, %dma_start3A_379, %dma_start3A_380] : memref<2x1024x16xf32, #tpu.memory_space<vmem>> -> memref<1x1024x16xf32, #tpu.memory_space<vmem>>
      %dma_start3A_382 = tpu.memref_squeeze %dma_start3A_381 : memref<1x1024x16xf32, #tpu.memory_space<vmem>> -> memref<1024x16xf32, #tpu.memory_space<vmem>>
      tpu.enqueue_dma source(%dma_start3A_382 : memref<1024x16xf32, #tpu.memory_space<vmem>>) target(%dma_start3A_378 : memref<1024x16xf32, #tpu.memory_space<hbm>>) target_semaphore(%run_scoped3A_370 : memref<!tpu.dma_semaphore, #tpu.memory_space<semaphore_mem>>)
      %dma_wait3A_383 = arith.constant 0 : i32
      %dma_wait3A_384 = arith.constant 0 : i32
      %dma_wait3A_385 = tpu.memref_slice %arg6[%run_scoped3A_369, %dma_wait3A_383, %dma_wait3A_384] : memref<2x1024x16xf32, #tpu.memory_space<vmem>> -> memref<1x1024x16xf32, #tpu.memory_space<vmem>>
      %dma_wait3A_386 = tpu.memref_squeeze %dma_wait3A_385 : memref<1x1024x16xf32, #tpu.memory_space<vmem>> -> memref<1024x16xf32, #tpu.memory_space<vmem>>
      %dma_wait3A_387 = arith.constant 0 : i32
      %dma_wait3A_388 = tpu.memref_slice %arg4[%mul3A_368, %dma_wait3A_387] : memref<917504x16xf32, #tpu.memory_space<hbm>> -> memref<1024x16xf32, #tpu.memory_space<hbm>>
      %dma_wait3A_389 = arith.constant 0 : i32
      %dma_wait3A_390 = tpu.memref_slice %arg4[%mul3A_368, %dma_wait3A_389] : memref<917504x16xf32, #tpu.memory_space<hbm>> -> memref<1024x16xf32, #tpu.memory_space<hbm>>
      %dma_wait3A_391 = arith.constant 0 : i32
      %dma_wait3A_392 = arith.constant 0 : i32
      %dma_wait3A_393 = tpu.memref_slice %arg6[%run_scoped3A_369, %dma_wait3A_391, %dma_wait3A_392] : memref<2x1024x16xf32, #tpu.memory_space<vmem>> -> memref<1x1024x16xf32, #tpu.memory_space<vmem>>
      %dma_wait3A_394 = tpu.memref_squeeze %dma_wait3A_393 : memref<1x1024x16xf32, #tpu.memory_space<vmem>> -> memref<1024x16xf32, #tpu.memory_space<vmem>>
      tpu.wait_dma2 semaphore(%run_scoped3A_370 : memref<!tpu.dma_semaphore, #tpu.memory_space<semaphore_mem>>) src(%dma_wait3A_394 : memref<1024x16xf32, #tpu.memory_space<vmem>>) dst(%dma_wait3A_390 : memref<1024x16xf32, #tpu.memory_space<hbm>>)
      tpu.yield
    }) : () -> ()
    return
  }
}

module attributes {stable_mosaic.version = 14 : i64} {
  func.func @_relayout_body(%arg0: i32, %arg1: memref<16x8192xf32, #tpu.memory_space<vmem>>, %arg2: memref<1024x128xf32, #tpu.memory_space<vmem>>) attributes {dimension_semantics = [#tpu.dimension_semantics<arbitrary>], iteration_bounds = array<i64: 123>, scalar_prefetch = 0 : i64, scratch_operands = 0 : i64, tpu.core_type = #tpu.core_type<tc>, window_params = [{transform_indices = @transform_0, window_bounds = array<i64: 16, 8192>}, {transform_indices = @transform_1, window_bounds = array<i64: 1024, 128>}]} {
    %get3A = arith.constant 0 : index
    %get3A_0 = arith.constant 0 : index
    %get3A_1 = vector.load %arg1[%get3A, %get3A_0] : memref<16x8192xf32, #tpu.memory_space<vmem>>, vector<16x8192xf32>
    %slice3A = vector.extract_strided_slice %get3A_1 {offsets = [0, 0], sizes = [16, 1024], strides = [1, 1]} : vector<16x8192xf32> to vector<16x1024xf32>
    %reshape3A = vector.shape_cast %slice3A : vector<16x1024xf32> to vector<16x8x128xf32>
    %transpose3A = tpu.transpose %reshape3A, [1, 0, 2] : vector<16x8x128xf32> -> vector<8x16x128xf32>
    %reshape3A_2 = vector.shape_cast %transpose3A : vector<8x16x128xf32> to vector<128x128xf32>
    %transpose3A_3 = tpu.transpose %reshape3A_2, [1, 0] : vector<128x128xf32> -> vector<128x128xf32>
    %swap3A = arith.constant 0 : index
    %swap3A_4 = arith.constant 0 : index
    %swap3A_5 = vector.load %arg2[%swap3A, %swap3A_4] : memref<1024x128xf32, #tpu.memory_space<vmem>>, vector<128x128xf32>
    tpu.vector_store %arg2[%swap3A, %swap3A_4], %transpose3A_3 {strides = array<i32>} : memref<1024x128xf32, #tpu.memory_space<vmem>>, vector<128x128xf32>,
    %slice3A_6 = vector.extract_strided_slice %get3A_1 {offsets = [0, 1024], sizes = [16, 1024], strides = [1, 1]} : vector<16x8192xf32> to vector<16x1024xf32>
    %reshape3A_7 = vector.shape_cast %slice3A_6 : vector<16x1024xf32> to vector<16x8x128xf32>
    %transpose3A_8 = tpu.transpose %reshape3A_7, [1, 0, 2] : vector<16x8x128xf32> -> vector<8x16x128xf32>
    %reshape3A_9 = vector.shape_cast %transpose3A_8 : vector<8x16x128xf32> to vector<128x128xf32>
    %transpose3A_10 = tpu.transpose %reshape3A_9, [1, 0] : vector<128x128xf32> -> vector<128x128xf32>
    %swap3A_11 = arith.constant 128 : index
    %swap3A_12 = arith.constant 0 : index
    %swap3A_13 = vector.load %arg2[%swap3A_11, %swap3A_12] : memref<1024x128xf32, #tpu.memory_space<vmem>>, vector<128x128xf32>
    tpu.vector_store %arg2[%swap3A_11, %swap3A_12], %transpose3A_10 {strides = array<i32>} : memref<1024x128xf32, #tpu.memory_space<vmem>>, vector<128x128xf32>,
    %slice3A_14 = vector.extract_strided_slice %get3A_1 {offsets = [0, 2048], sizes = [16, 1024], strides = [1, 1]} : vector<16x8192xf32> to vector<16x1024xf32>
    %reshape3A_15 = vector.shape_cast %slice3A_14 : vector<16x1024xf32> to vector<16x8x128xf32>
    %transpose3A_16 = tpu.transpose %reshape3A_15, [1, 0, 2] : vector<16x8x128xf32> -> vector<8x16x128xf32>
    %reshape3A_17 = vector.shape_cast %transpose3A_16 : vector<8x16x128xf32> to vector<128x128xf32>
    %transpose3A_18 = tpu.transpose %reshape3A_17, [1, 0] : vector<128x128xf32> -> vector<128x128xf32>
    %swap3A_19 = arith.constant 256 : index
    %swap3A_20 = arith.constant 0 : index
    %swap3A_21 = vector.load %arg2[%swap3A_19, %swap3A_20] : memref<1024x128xf32, #tpu.memory_space<vmem>>, vector<128x128xf32>
    tpu.vector_store %arg2[%swap3A_19, %swap3A_20], %transpose3A_18 {strides = array<i32>} : memref<1024x128xf32, #tpu.memory_space<vmem>>, vector<128x128xf32>,
    %slice3A_22 = vector.extract_strided_slice %get3A_1 {offsets = [0, 3072], sizes = [16, 1024], strides = [1, 1]} : vector<16x8192xf32> to vector<16x1024xf32>
    %reshape3A_23 = vector.shape_cast %slice3A_22 : vector<16x1024xf32> to vector<16x8x128xf32>
    %transpose3A_24 = tpu.transpose %reshape3A_23, [1, 0, 2] : vector<16x8x128xf32> -> vector<8x16x128xf32>
    %reshape3A_25 = vector.shape_cast %transpose3A_24 : vector<8x16x128xf32> to vector<128x128xf32>
    %transpose3A_26 = tpu.transpose %reshape3A_25, [1, 0] : vector<128x128xf32> -> vector<128x128xf32>
    %swap3A_27 = arith.constant 384 : index
    %swap3A_28 = arith.constant 0 : index
    %swap3A_29 = vector.load %arg2[%swap3A_27, %swap3A_28] : memref<1024x128xf32, #tpu.memory_space<vmem>>, vector<128x128xf32>
    tpu.vector_store %arg2[%swap3A_27, %swap3A_28], %transpose3A_26 {strides = array<i32>} : memref<1024x128xf32, #tpu.memory_space<vmem>>, vector<128x128xf32>,
    %slice3A_30 = vector.extract_strided_slice %get3A_1 {offsets = [0, 4096], sizes = [16, 1024], strides = [1, 1]} : vector<16x8192xf32> to vector<16x1024xf32>
    %reshape3A_31 = vector.shape_cast %slice3A_30 : vector<16x1024xf32> to vector<16x8x128xf32>
    %transpose3A_32 = tpu.transpose %reshape3A_31, [1, 0, 2] : vector<16x8x128xf32> -> vector<8x16x128xf32>
    %reshape3A_33 = vector.shape_cast %transpose3A_32 : vector<8x16x128xf32> to vector<128x128xf32>
    %transpose3A_34 = tpu.transpose %reshape3A_33, [1, 0] : vector<128x128xf32> -> vector<128x128xf32>
    %swap3A_35 = arith.constant 512 : index
    %swap3A_36 = arith.constant 0 : index
    %swap3A_37 = vector.load %arg2[%swap3A_35, %swap3A_36] : memref<1024x128xf32, #tpu.memory_space<vmem>>, vector<128x128xf32>
    tpu.vector_store %arg2[%swap3A_35, %swap3A_36], %transpose3A_34 {strides = array<i32>} : memref<1024x128xf32, #tpu.memory_space<vmem>>, vector<128x128xf32>,
    %slice3A_38 = vector.extract_strided_slice %get3A_1 {offsets = [0, 5120], sizes = [16, 1024], strides = [1, 1]} : vector<16x8192xf32> to vector<16x1024xf32>
    %reshape3A_39 = vector.shape_cast %slice3A_38 : vector<16x1024xf32> to vector<16x8x128xf32>
    %transpose3A_40 = tpu.transpose %reshape3A_39, [1, 0, 2] : vector<16x8x128xf32> -> vector<8x16x128xf32>
    %reshape3A_41 = vector.shape_cast %transpose3A_40 : vector<8x16x128xf32> to vector<128x128xf32>
    %transpose3A_42 = tpu.transpose %reshape3A_41, [1, 0] : vector<128x128xf32> -> vector<128x128xf32>
    %swap3A_43 = arith.constant 640 : index
    %swap3A_44 = arith.constant 0 : index
    %swap3A_45 = vector.load %arg2[%swap3A_43, %swap3A_44] : memref<1024x128xf32, #tpu.memory_space<vmem>>, vector<128x128xf32>
    tpu.vector_store %arg2[%swap3A_43, %swap3A_44], %transpose3A_42 {strides = array<i32>} : memref<1024x128xf32, #tpu.memory_space<vmem>>, vector<128x128xf32>,
    %slice3A_46 = vector.extract_strided_slice %get3A_1 {offsets = [0, 6144], sizes = [16, 1024], strides = [1, 1]} : vector<16x8192xf32> to vector<16x1024xf32>
    %reshape3A_47 = vector.shape_cast %slice3A_46 : vector<16x1024xf32> to vector<16x8x128xf32>
    %transpose3A_48 = tpu.transpose %reshape3A_47, [1, 0, 2] : vector<16x8x128xf32> -> vector<8x16x128xf32>
    %reshape3A_49 = vector.shape_cast %transpose3A_48 : vector<8x16x128xf32> to vector<128x128xf32>
    %transpose3A_50 = tpu.transpose %reshape3A_49, [1, 0] : vector<128x128xf32> -> vector<128x128xf32>
    %swap3A_51 = arith.constant 768 : index
    %swap3A_52 = arith.constant 0 : index
    %swap3A_53 = vector.load %arg2[%swap3A_51, %swap3A_52] : memref<1024x128xf32, #tpu.memory_space<vmem>>, vector<128x128xf32>
    tpu.vector_store %arg2[%swap3A_51, %swap3A_52], %transpose3A_50 {strides = array<i32>} : memref<1024x128xf32, #tpu.memory_space<vmem>>, vector<128x128xf32>,
    %slice3A_54 = vector.extract_strided_slice %get3A_1 {offsets = [0, 7168], sizes = [16, 1024], strides = [1, 1]} : vector<16x8192xf32> to vector<16x1024xf32>
    %reshape3A_55 = vector.shape_cast %slice3A_54 : vector<16x1024xf32> to vector<16x8x128xf32>
    %transpose3A_56 = tpu.transpose %reshape3A_55, [1, 0, 2] : vector<16x8x128xf32> -> vector<8x16x128xf32>
    %reshape3A_57 = vector.shape_cast %transpose3A_56 : vector<8x16x128xf32> to vector<128x128xf32>
    %transpose3A_58 = tpu.transpose %reshape3A_57, [1, 0] : vector<128x128xf32> -> vector<128x128xf32>
    %swap3A_59 = arith.constant 896 : index
    %swap3A_60 = arith.constant 0 : index
    %swap3A_61 = vector.load %arg2[%swap3A_59, %swap3A_60] : memref<1024x128xf32, #tpu.memory_space<vmem>>, vector<128x128xf32>
    tpu.vector_store %arg2[%swap3A_59, %swap3A_60], %transpose3A_58 {strides = array<i32>} : memref<1024x128xf32, #tpu.memory_space<vmem>>, vector<128x128xf32>,
    return
  }
  func.func @transform_0(%arg0: i32) -> (i32, i32) {
    %c0_i32 = arith.constant 0 : i32
    %c0_i32_0 = arith.constant 0 : i32
    return %c0_i32, %arg0 : i32, i32
  }
  func.func @transform_1(%arg0: i32) -> (i32, i32) {
    %c0_i32 = arith.constant 0 : i32
    %c0_i32_0 = arith.constant 0 : i32
    return %arg0, %c0_i32 : i32, i32
  }
}

module attributes {stable_mosaic.version = 14 : i64} {
  func.func @_mm_body(%arg0: i32, %arg1: memref<7168x128xf32, #tpu.memory_space<vmem>>, %arg2: memref<128x896xf32, #tpu.memory_space<vmem>>, %arg3: memref<1x128xf32, #tpu.memory_space<vmem>>, %arg4: memref<1024x128xf32, #tpu.memory_space<vmem>>) attributes {dimension_semantics = [#tpu.dimension_semantics<arbitrary>], iteration_bounds = array<i64: 16>, scalar_prefetch = 0 : i64, scratch_operands = 0 : i64, tpu.core_type = #tpu.core_type<tc>, window_params = [{transform_indices = @transform_0, window_bounds = array<i64: 7168, 128>}, {pipeline_mode = #tpu.pipeline_mode<synchronous>, transform_indices = @transform_1, window_bounds = array<i64: 128, 896>}, {pipeline_mode = #tpu.pipeline_mode<synchronous>, transform_indices = @transform_2, window_bounds = array<i64: 1, 128>}, {transform_indices = @transform_3, window_bounds = array<i64: 1024, 128>}]} {
    %get3A = arith.constant 0 : index
    %get3A_0 = arith.constant 0 : index
    %get3A_1 = vector.load %arg1[%get3A, %get3A_0] : memref<7168x128xf32, #tpu.memory_space<vmem>>, vector<7168x128xf32>
    %reshape3A = vector.shape_cast %get3A_1 : vector<7168x128xf32> to vector<1024x7x128xf32>
    %reshape3A_2 = vector.shape_cast %reshape3A : vector<1024x7x128xf32> to vector<1024x896xf32>
    %get3A_3 = arith.constant 0 : index
    %get3A_4 = arith.constant 0 : index
    %get3A_5 = vector.load %arg2[%get3A_3, %get3A_4] : memref<128x896xf32, #tpu.memory_space<vmem>>, vector<128x896xf32>
    %dot_general3A = arith.constant dense<0.000000e+00> : vector<1024x128xf32>
    %dot_general3A_6 = tpu.matmul %reshape3A_2, %get3A_5, %dot_general3A {dimension_numbers = #tpu.dot_dimension_numbers<[1], [1], [0], [0], [0, 0, 1, 0], [], []>, transpose_lhs_hint = false} : vector<1024x896xf32>, vector<128x896xf32>, vector<1024x128xf32> -> vector<1024x128xf32>
    %get3A_7 = arith.constant 0 : index
    %get3A_8 = arith.constant 0 : index
    %get3A_9 = vector.load %arg3[%get3A_7, %get3A_8] : memref<1x128xf32, #tpu.memory_space<vmem>>, vector<1x128xf32>
    %add3A = vector.broadcast %get3A_9 : vector<1x128xf32> to vector<1024x128xf32>
    %add3A_10 = arith.addf %dot_general3A_6, %add3A : vector<1024x128xf32>
    %swap3A = arith.constant 0 : index
    %swap3A_11 = arith.constant 0 : index
    %swap3A_12 = vector.load %arg4[%swap3A, %swap3A_11] : memref<1024x128xf32, #tpu.memory_space<vmem>>, vector<1024x128xf32>
    tpu.vector_store %arg4[%swap3A, %swap3A_11], %add3A_10 {strides = array<i32>} : memref<1024x128xf32, #tpu.memory_space<vmem>>, vector<1024x128xf32>,
    return
  }
  func.func @transform_0(%arg0: i32) -> (i32, i32) {
    %c0_i32 = arith.constant 0 : i32
    %c0_i32_0 = arith.constant 0 : i32
    return %arg0, %c0_i32 : i32, i32
  }
  func.func @transform_1(%arg0: i32) -> (i32, i32) {
    %c0_i32 = arith.constant 0 : i32
    %c0_i32_0 = arith.constant 0 : i32
    %c0_i32_1 = arith.constant 0 : i32
    return %c0_i32, %c0_i32_0 : i32, i32
  }
  func.func @transform_2(%arg0: i32) -> (i32, i32) {
    %c0_i32 = arith.constant 0 : i32
    %c0_i32_0 = arith.constant 0 : i32
    %c0_i32_1 = arith.constant 0 : i32
    return %c0_i32, %c0_i32_0 : i32, i32
  }
  func.func @transform_3(%arg0: i32) -> (i32, i32) {
    %c0_i32 = arith.constant 0 : i32
    %c0_i32_0 = arith.constant 0 : i32
    return %arg0, %c0_i32 : i32, i32
  }
}

</mosaic_0001>

<sc_bundles>
// kernel: kernel.5.cloned.1.call-start
scs
__scs_entry_jumppad:
0x0: {  	(pc) =	sbr.rel $0x88, $3  }
0x1: {  	(tag) =	ssettag $0x0;
	lr =	simm.s32 $0x1  }
0x2: {  	[smem:$0x3F9D] =	sst lr;
	_ =	strace $0xD0000000  }
0x3: {  	_ = 	snop  }
0x4: {  	_ = 	snop  }
0x5: {  	_ = 	snop  }
0x6: {  	_ = 	snop  }
0x7: {  	_ = 	snop  }
__scs_overlays_trampoline_lowered:
0x8: {  	[smem:$0x3FAC] =	sst s0  }
0x9: {  	[smem:$0x3FAD] =	sst s1  }
0xa: {  	[smem:$0x3FAE] =	sst s2  }
0xb: {  	[smem:$0x3FAF] =	sst s3  }
0xc: {  	[smem:$0x3FB0] =	sst s4  }
0xd: {  	[smem:$0x3FB1] =	sst s5  }
0xe: {  	[smem:$0x3FB2] =	sst s6  }
0xf: {  	[smem:$0x3FB3] =	sst s7  }
0x10: {  	[smem:$0x3FB4] =	sst s8  }
0x11: {  	[smem:$0x3FB5] =	sst s9;
	s0 =	simm.s32 @!p0 $0x0  }
0x12: {  	s1 =	sld [smem:$0x3F9B];
	s0 =	simm.s32 @p0 $0x1  }
0x13: {  	[smem:$0x3FB6] =	sst s0;
	s0 =	simm.s32 @!p1 $0x0  }
0x14: {  	s2 =	sld [smem:$0x3F9A];
	s0 =	simm.s32 @p1 $0x1  }
0x15: {  	[smem:$0x3FB7] =	sst s0;
	s0 =	simm.s32 @!p2 $0x0  }
0x16: {  	s3 =	sld [smem:$0x3FDB];
	s0 =	simm.s32 @p2 $0x1  }
0x17: {  	s4 =	simm.s32 $0x1BF5;
	[smem:$0x3FB9] =	sst s0  }
0x18: {  	s0 =	sld [smem:$0x3F9C];
	_ =	swait.ge [sflag:s4], $0x0  }
0x19: {  	s7 =	sld [smem:$0x3F9D]  }
0x1a: {  	s8 =	sadd.s32 $0xFFFFE003, lr  }
0x1b: {  	s9 =	sadd.s32 $0xFFFFFEF7, lr;
	s5 =	simm.s32 $0xFFFFFFFF;
	p2 =	slt.u32 s8, $0xFFFFF086  }
0x1c: {  	p1 =	slt.u32 s9, $0xF7A;
	s5 =	simm.s32 @!p2 $0x0  }
0x1d: {  	s5 =	simm.s32 @p1 $0x1;
	p0 =	seq.s32 s7, s2  }
0x1e: {  	s7 =	smul.u32 @!p0 $0xF7A, s2;
	p2 =	seq.s32 @!p0 s5, $0x0  }
0x1f: {  	s9 =	smul.u32 $0xF7A, s1;
	s8 =	simm.s32 @!p0 $0x1BF5;
	p2 =	por !p2, p0  }
0x20: {  	[sflag:s8] =	ssyncset.s32 @!p0 $0xFFFFF086;
	s6 =	sadd.s32 @!p0 s3, s7;
	s7 =	simm.s32 @!p0 $0x108  }
0x21: {  	s3 =	sadd.s32 s3, s9;
	s6 =	sadd.s32 @!p0 $0x88, s6;
	s7 =	simm.s32 @p2 $0x1082  }
0x22: {  	[simem:s7], [sflag:s8] =	dma.local @!p0 [hbm:s6], $0xF7A  }
0x23: {  	s9 =	sor.u32 $0xD0000000, s2;
	s6 =	simm.s32 $0x108;
	_ =	swait.ge @!p0 [sflag:s8], $0x0  }
0x24: {  	s3 =	sadd.s32 $0x88, s3;
	s6 =	simm.s32 @!p1 $0x1082;
	[sflag:s4] =	ssyncset.s32 $0xFFFFF086  }
0x25: {  	[simem:s6], [sflag:s4] =	dma.local [hbm:s3], $0xF7A  }
0x26: {  	[smem:$0x3F9D] =	sst s1;
	(tag) =	ssettag s2;
	_ =	strace s9  }
0x27: {  	s1 =	sld [smem:$0x3FAD]  }
0x28: {  	s2 =	sld [smem:$0x3FAE]  }
0x29: {  	s4 =	sld [smem:$0x3FB0]  }
0x2a: {  	p0 =	seq.s32 s5, $0x0;
	s5 =	sld [smem:$0x3FB1]  }
0x2b: {  	s6 =	sld [smem:$0x3FB2]  }
0x2c: {  	s7 =	sld [smem:$0x3FB3]  }
0x2d: {  	s3 =	simm.s32 $0x108;
	s8 =	sld [smem:$0x3FB4]  }
0x2e: {  	s3 =	simm.s32 @!p0 $0x1082;
	s9 =	sld [smem:$0x3FB5]  }
0x2f: {  	lr =	sadd.s32 s0, s3;
	s0 =	sld [smem:$0x3FAC]  }
0x30: {  	s3 =	sld [smem:$0x3FAF]  }
0x31: {  	[smem:$0x3FB8] =	sst s10  }
0x32: {  	s10 =	sld [smem:$0x3FB6];
	_ =	sdelay $0x3  }
0x33: {  	p0 =	seq.s32 s10, $0x1;
	s10 =	sld [smem:$0x3FB8];
	_ =	sdelay $0x3  }
0x34: {  	[smem:$0x3FB8] =	sst s10  }
0x35: {  	s10 =	sld [smem:$0x3FB7];
	_ =	sdelay $0x3  }
0x36: {  	p1 =	seq.s32 s10, $0x1;
	s10 =	sld [smem:$0x3FB8];
	_ =	sdelay $0x3  }
0x37: {  	[smem:$0x3FB8] =	sst s10  }
0x38: {  	s10 =	sld [smem:$0x3FB9]  }
0x39: {  	_ = 	snop;
	(pc) =	sbr.ind lr, $3  }
0x3a: {  	_ = 	snop  }
0x3b: {  	_ = 	snop  }
0x3c: {  	p2 =	seq.s32 s10, $0x1;
	s10 =	sld [smem:$0x3FB8]  }
0x3d: {  	_ =	shalt  }
0x3e: {  	_ =	shalt  }
0x3f: {  	_ =	shalt  }
0x40: {  	_ =	shalt  }
0x41: {  	_ =	shalt  }
0x42: {  	_ =	shalt  }
0x43: {  	_ =	shalt  }
0x44: {  	_ =	shalt  }
0x45: {  	_ =	shalt  }
0x46: {  	_ =	shalt  }
0x47: {  	_ =	shalt  }
0x48: {  	_ =	shalt  }
0x49: {  	_ =	shalt  }
0x4a: {  	_ =	shalt  }
0x4b: {  	_ =	shalt  }
0x4c: {  	_ =	shalt  }
0x4d: {  	_ =	shalt  }
0x4e: {  	_ =	shalt  }
0x4f: {  	_ =	shalt  }
0x50: {  	_ =	shalt  }
0x51: {  	_ =	shalt  }
0x52: {  	_ =	shalt  }
0x53: {  	_ =	shalt  }
0x54: {  	_ =	shalt  }
0x55: {  	_ =	shalt  }
0x56: {  	_ =	shalt  }
0x57: {  	_ =	shalt  }
0x58: {  	_ =	shalt  }
0x59: {  	_ =	shalt  }
0x5a: {  	_ =	shalt  }
0x5b: {  	_ =	shalt  }
0x5c: {  	_ =	shalt  }
0x5d: {  	_ =	shalt  }
0x5e: {  	_ =	shalt  }
0x5f: {  	_ =	shalt  }
0x60: {  	_ =	shalt  }
0x61: {  	_ =	shalt  }
0x62: {  	_ =	shalt  }
0x63: {  	_ =	shalt  }
0x64: {  	_ =	shalt  }
0x65: {  	_ =	shalt  }
0x66: {  	_ =	shalt  }
0x67: {  	_ =	shalt  }
0x68: {  	_ =	shalt  }
0x69: {  	_ =	shalt  }
0x6a: {  	_ =	shalt  }
0x6b: {  	_ =	shalt  }
0x6c: {  	_ =	shalt  }
0x6d: {  	_ =	shalt  }
0x6e: {  	_ =	shalt  }
0x6f: {  	_ =	shalt  }
0x70: {  	_ =	shalt  }
0x71: {  	_ =	shalt  }
0x72: {  	_ =	shalt  }
0x73: {  	_ =	shalt  }
0x74: {  	_ =	shalt  }
0x75: {  	_ =	shalt  }
0x76: {  	_ =	shalt  }
0x77: {  	_ =	shalt  }
0x78: {  	_ =	shalt  }
0x79: {  	_ =	shalt  }
0x7a: {  	_ =	shalt  }
0x7b: {  	_ =	shalt  }
0x7c: {  	_ =	shalt  }
0x7d: {  	_ =	shalt  }
0x7e: {  	_ =	shalt  }
0x7f: {  	_ =	shalt  }
0x80: {  	_ =	shalt  }
0x81: {  	_ =	shalt  }
0x82: {  	_ =	shalt  }
0x83: {  	_ =	shalt  }
0x84: {  	_ =	shalt  }
0x85: {  	_ =	shalt  }
0x86: {  	_ =	shalt  }
0x87: {  	_ =	shalt  }
.Lfunc_end0:
.L_simem_size_0:
called_computation_lowered:
.L_overlay_start_0:
0x88: {  	s2 =	sld [smem:$0x3FD9]  }
0x89: {  	s3 =	sld [smem:$0x3FFE];
	_ =	sdelay $0x1  }
0x8a: {  	s1 =	srdreg.scid  }
0x8b: {  	s0 =	sand.u32 $0x1, s1  }
0x8c: {  	s17 =	sshll.u32 s0, $0xA;
	s2 =	sadd.s32 s3, s2  }
0x8d: {  	s2 =	sadd.s32 s2, s17  }
0x8e: {  	[smem:$0x3FC4] =	sst s2  }
0x8f: {  	_ = 	snop  }
0x90: {  	s2 =	sld [smem:$0x3FD0];
	(tm) =	ssettm $0x1  }
0x91: {  	s18 =	sld [smem:$0x3FFB];
	_ =	sdelay $0x3  }
0x92: {  	_ =	strace s18  }
0x93: {  	s3 =	sld [smem:$0x3FFC];
	_ =	sdelay $0x3  }
0x94: {  	_ =	strace s3  }
0x95: {  	s3 =	sld [smem:$0x3FFD];
	_ =	sdelay $0x3  }
0x96: {  	_ =	strace s3  }
0x97: {  	_ =	strace $0x8FFFFFFF  }
0x98: {  	s19 =	sld [smem:$0x3FDB];
	_ =	sdelay $0x1  }
0x99: {  	s4 =	simm.s32 $_scs_section_size  }
0x9a: {  	s5 =	simm.s32 $_size__tile_overlayer_lowered;
	s6 =	simm.s32 $_tile_overlayer_lowered  }
0x9b: {  	s22 =	simm.s32 $0x1BFF;
	s21 =	sshll.u32 s6, $0x1;
	s3 =	sadd.s32 s4, s19  }
0x9c: {  	s7 =	simm.s32 $0x0;
	s20 =	sshll.u32 s5, $0x1;
	s5 =	sadd.s32 s21, s3  }
0x9d: {  	[timem:s7], [sflag:s22] =	dma.local [hbm:s5], s20  }
0x9e: {  	_ =	swait.ge [sflag:s22], s20  }
0x9f: {  	s4 =	ssub.s32 $0x0, s20;
	[sflag:s22] =	ssyncset.done $0x0  }
0xa0: {  	[sflag:s22] =	ssyncadd.s32 s4;
	_ =	sdelay $0x1  }
0xa1: {  	s23 =	simm.s32 $0x1B8B  }
0xa2: {  	_ =	swait.ge [sflag:s23], $0x1  }
0xa3: {  	[sflag:s23] =	ssyncset.done $0x0  }
0xa4: {  	s25 =	simm.s32 $0x1B8E;
	s24 =	sld [smem:$0x3FFE];
	[sflag:s23] =	ssyncadd.s32 $0xFFFFFFFF  }
0xa5: {  	s26 =	simm.s32 $execute0_lowered;
	[smem:$0x3FD2] =	sst s25  }
0xa6: {  	s5 =	sshll.u32 s26, $0x1;
	_ =	strace $0x80000046;
	[dreg:$0x1] =	wrdreg $0xFFFFFFFF  }
0xa7: {  	s28 =	simm.s32 $_size_execute0_lowered;
	s3 =	sadd.s32 s3, s5;
	[dreg:$0x0] =	wrdreg $0x0  }
0xa8: {  	s5 =	sshll.u32 s28, $0x1;
	[dreg:$0x2] =	wrdreg s3  }
0xa9: {  	[dreg:$0x3] =	wrdreg s5  }
0xaa: {  	[dreg:$0x4] =	wrdreg $0xC0  }
0xab: {  	_ =	task [dreg:s7], $0x5FFFF  }
0xac: {  	[dreg:$0x1] =	wrdreg $0xFFFFFFFF  }
0xad: {  	[dreg:$0x0] =	wrdreg $0x60  }
0xae: {  	[dreg:$0x2] =	wrdreg s2  }
0xaf: {  	[dreg:$0x3] =	wrdreg s24  }
0xb0: {  	[dreg:$0x4] =	wrdreg $0x9  }
0xb1: {  	_ =	task.clear_ibuf [dreg:s7], $0x5FFFF;
	_ =	strace $0x90000046  }
0xb2: {  	s29 =	simm.s32 $0x9;
	_ =	strace $0x80000048  }
0xb3: {  	_ =	swait.ge [sflag:s29], $0x1  }
0xb4: {  	[sflag:s29] =	ssyncadd.s32 $0xFFFFFFFF  }
0xb5: {  	_ =	strace $0x90000048  }
0xb6: {  	_ =	sfence  }
0xb7: {  	s30 =	sld [smem:$0x0];
	_ =	sdelay $0x2  }
0xb8: {  	s31 =	sshll.u32 s1, $0xD;
	s1 =	sshrl.u32 s1, $0x2  }
0xb9: {  	s3 =	sand.u32 $0x4000, s31;
	s1 =	sadd.s32 s1, s30  }
0xba: {  	s0 =	sor.u32 s3, s0;
	s1 =	sshll.u32 s1, $0x11  }
0xbb: {  	s0 =	sor.u32 s1, s0  }
0xbc: {  	s0 =	sadd.s32 $0x8F2B, s0  }
0xbd: {  	[sflag:s0] =	ssyncadd.remote.s32 $0x1  }
0xbe: {  	_ =	sfence.sel $0xFFFF  }
0xbf: {  	[dreg:$0x0] =	wrdreg $0xFFFFFFFF;
	(pc) =	sbr.abs _section_cstart, $3  }
0xc0: {  	[dreg:$0x1] =	wrdreg $0xFFFFFFFF  }
0xc1: {  	_ =	task.clear_ibuf [dreg:s7], $0x2FFFF;
	_ =	strace $0x9FFFFFFF  }
0xc2: {  	(tm) =	ssettm $0x7FFFFFFF  }
0xc3: {  	_ =	shalt  }
tec
execute0_lowered:
.L_overlay_start_1:
0x0: {  	(tag) =	ssettag $0x1  }
0x1: {  	s0 =	rddreg [dreg:$0x0];
	s1 =	srdreg.scid  }
0x2: {  	s11 =	stileid.u32;
	s4 =	rddreg [dreg:$0x1]  }
0x3: {  	s2 =	simm.s32 $0x0;
	s12 =	simm.s32 $0x80;
	s13 =	simm.s32 $0x800  }
0x4: {  	s28 =	simm.s32 $0x400;
	s29 =	simm.s32 $0x4800;
	s14 =	simm.s32 $0x480  }
0x5: {  	s15 =	simm.s32 $0x5000;
	s16 =	simm.s32 $0x500;
	s21 =	smul.u32 $0xE0000, s11  }
0x6: {  	s1 =	sand.u32 $0x1, s1;
	s3 =	sshll.u32 s11, $0x1;
	s11 =	smul.u32 $0x1C0, s11  }
0x7: {  	s31 =	simm.s32 $0x7000;
	s17 =	simm.s32 $0x1;
	s22 =	smul.u32 $0x70000, s1  }
0x8: {  	s5 =	sor.u32 s1, s3;
	s7 =	ssub.s32 $0x2, s1;
	s1 =	smul.u32 $0xE0, s1  }
0x9: {  	s18 =	simm.s32 $0x2;
	[smem:$0x7FF] =	sst s2;
	s6 =	smul.u32 $0xE00, s5  }
0xa: {  	_ =	strace $0x80000047;
	s3 =	sadd.s32 $0x800, s4;
	s8 =	smul.u32 $0x70000, s5  }
0xb: {  	s4 =	sadd.s32 $0x1EC800, s4;
	s9 =	sshrl.u32 s7, $0x1;
	s5 =	smul.u32 $0x7000, s5  }
0xc: {  	s7 =	ssub.s32 s7, s9;
	s24 =	sadd.s32 s22, s21;
	s1 =	sadd.s32 s1, s11  }
0xd: {  	s11 =	simm.s32 $0x3;
	s9 =	simm.s32 $0x600;
	s6 =	sadd.s32 s0, s6  }
0xe: {  	s5 =	sadd.s32 $0x6C00, s5;
	s8 =	sshrl.u32 s8, $0x3;
	s23 =	smax.u32 s7, $0x1  }
0xf: {  	s25 =	sshll.u32 s1, $0x4;
	s1 =	sor.u32 $0x8, s1;
	s7 =	simm.s32 $0x6000  }
0x10: {  	[dreg:$0x5] =	wrdreg s6;
	s10 =	sshrl.u32 s5, $0x3;
	s8 =	sadd.s32 s4, s8  }
0x11: {  	s5 =	sshll.u32 s5, $0x1;
	[dreg:$0x9] =	wrdreg s23;
	s26 =	sadd.s32 s25, s0  }
0x12: {  	s1 =	sshrl.u32 s1, $0x3;
	s25 =	simm.s32 $0x6800;
	s10 =	sadd.s32 s0, s10  }
0x13: {  	s6 =	simm.s32 $0x780;
	s8 =	sadd.s32 $0xD000, s8;
	[dreg:$0x6] =	wrdreg s10  }
0x14: {  	s5 =	sadd.s32 s4, s5;
	s30 =	sshll.u32 s1, $0xB;
	[dreg:$0x7] =	wrdreg s8  }
0x15: {  	s1 =	sshll.u32 s1, $0x7;
	[dreg:$0x8] =	wrdreg s5;
	s5 =	sshrl.u32 s24, $0x3  }
0x16: {  	s0 =	sadd.s32 s1, s0;
	s1 =	simm.s32 $0x700;
	s8 =	simm.s32 $0x8000  }
0x17: {  	s10 =	simm.s32 $0x0;
	s5 =	sadd.s32 s5, s4;
	[dreg:$0x4] =	wrdreg s0  }
0x18: {  	s4 =	sadd.s32 s30, s4;
	s0 =	simm.s32 $0x5800;
	[dreg:$0xa] =	wrdreg s5  }
0x19: {  	s5 =	sadd.s32 $0x100, s26;
	[dreg:$0xb] =	wrdreg s4;
	s26 =	simm.s32 $0x680  }
0x1a: {  	s4 =	simm.s32 $0x7800;
	[dreg:$0x3] =	wrdreg s5;
	s5 =	simm.s32 $0x580  }
.LBB2_1:
0x1b: {  	[dreg:$0xc] =	wrdreg s10  }
0x1c: {  	s19 =	rddreg [dreg:$0x5]  }
0x1d: {  	[tilespmem:s2], [sflag:$0x3] =	stream.linear.gather [hbm4b:s19+s2], $0x400, $0x38;
	[tilespmem:$0x8800] =	vst v63  }
0x1e: {  	_ =	swait.ge [sflag:s11], $0x400  }
0x1f: {  	[sflag:s11] =	ssyncset.done $0x0  }
0x20: {  	[sflag:s11] =	ssyncadd.s32 $0xFFFFFC00  }
0x21: {  	[tilespmem:s13], [sflag:$0x1] =	stream.indirect.gather [hbm4b:s3+s12], $0x10, s2, s12, $0xb8;
	[tilespmem:$0x8800] =	vst v63  }
0x22: {  	s30 =	simm.s32 $0x1000  }
0x23: {  	[tilespmem:s30], [sflag:$0x1] =	stream.indirect.gather [hbm4b:s3+s12], $0x10, s12, s12, $0xb8;
	[tilespmem:$0x8800] =	vst v63  }
0x24: {  	s21 =	simm.s32 $0x100;
	s23 =	simm.s32 $0x1800  }
0x25: {  	[tilespmem:s23], [sflag:$0x1] =	stream.indirect.gather [hbm4b:s3+s12], $0x10, s21, s12, $0xb8;
	[tilespmem:$0x8800] =	vst v63  }
0x26: {  	s22 =	simm.s32 $0x180;
	s24 =	simm.s32 $0x2000  }
0x27: {  	[tilespmem:s24], [sflag:$0x1] =	stream.indirect.gather [hbm4b:s3+s12], $0x10, s22, s12, $0xb8;
	[tilespmem:$0x8800] =	vst v63  }
0x28: {  	s20 =	simm.s32 $0x200;
	s10 =	simm.s32 $0x2800  }
0x29: {  	[tilespmem:s10], [sflag:$0x1] =	stream.indirect.gather [hbm4b:s3+s12], $0x10, s20, s12, $0xb8;
	[tilespmem:$0x8800] =	vst v63  }
0x2a: {  	s21 =	simm.s32 $0x280;
	s24 =	simm.s32 $0x3000  }
0x2b: {  	[tilespmem:s24], [sflag:$0x1] =	stream.indirect.gather [hbm4b:s3+s12], $0x10, s21, s12, $0xb8;
	[tilespmem:$0x8800] =	vst v63  }
0x2c: {  	s22 =	simm.s32 $0x300;
	s20 =	simm.s32 $0x3800  }
0x2d: {  	[tilespmem:s20], [sflag:$0x1] =	stream.indirect.gather [hbm4b:s3+s12], $0x10, s22, s12, $0xb8;
	[tilespmem:$0x8800] =	vst v63  }
0x2e: {  	s21 =	rddreg [dreg:$0x4];
	s20 =	simm.s32 $0x380;
	s22 =	simm.s32 $0x4000  }
0x2f: {  	[tilespmem:s22], [sflag:$0x1] =	stream.indirect.gather [hbm4b:s3+s12], $0x10, s20, s12, $0xb8;
	[tilespmem:$0x8800] =	vst v63  }
0x30: {  	s19 =	sadd.s32 $0x0, s21  }
0x31: {  	[tilespmem:s28], [sflag:$0x3] =	stream.linear.gather [hbm4b:s19+s2], $0x400, $0x38;
	[tilespmem:$0x8800] =	vst v63  }
0x32: {  	_ =	swait.ge [sflag:s11], $0x400  }
0x33: {  	[sflag:s11] =	ssyncset.done $0x0  }
0x34: {  	[sflag:s11] =	ssyncadd.s32 $0xFFFFFC00  }
0x35: {  	[tilespmem:s29], [sflag:$0x2] =	stream.indirect.gather [hbm4b:s3+s12], $0x10, s28, s12, $0xb8;
	[tilespmem:$0x8800] =	vst v63  }
0x36: {  	_ = 	snop  }
0x37: {  	[tilespmem:s15], [sflag:$0x2] =	stream.indirect.gather [hbm4b:s3+s12], $0x10, s14, s12, $0xb8;
	[tilespmem:$0x8800] =	vst v63  }
0x38: {  	_ = 	snop  }
0x39: {  	[tilespmem:s0], [sflag:$0x2] =	stream.indirect.gather [hbm4b:s3+s12], $0x10, s16, s12, $0xb8;
	[tilespmem:$0x8800] =	vst v63  }
0x3a: {  	_ = 	snop  }
0x3b: {  	[tilespmem:s7], [sflag:$0x2] =	stream.indirect.gather [hbm4b:s3+s12], $0x10, s5, s12, $0xb8;
	[tilespmem:$0x8800] =	vst v63  }
0x3c: {  	_ = 	snop  }
0x3d: {  	[tilespmem:s25], [sflag:$0x2] =	stream.indirect.gather [hbm4b:s3+s12], $0x10, s9, s12, $0xb8;
	[tilespmem:$0x8800] =	vst v63  }
0x3e: {  	_ = 	snop  }
0x3f: {  	[tilespmem:s31], [sflag:$0x2] =	stream.indirect.gather [hbm4b:s3+s12], $0x10, s26, s12, $0xb8;
	[tilespmem:$0x8800] =	vst v63  }
0x40: {  	_ = 	snop  }
0x41: {  	[tilespmem:s4], [sflag:$0x2] =	stream.indirect.gather [hbm4b:s3+s12], $0x10, s1, s12, $0xb8;
	[tilespmem:$0x8800] =	vst v63  }
0x42: {  	_ = 	snop  }
0x43: {  	[tilespmem:s8], [sflag:$0x2] =	stream.indirect.gather [hbm4b:s3+s12], $0x10, s6, s12, $0xb8;
	[tilespmem:$0x8800] =	vst v63  }
0x44: {  	_ =	swait.ge [sflag:s17], $0x4000  }
0x45: {  	[sflag:s17] =	ssyncset.done $0x0  }
0x46: {  	s21 =	rddreg [dreg:$0xa];
	[sflag:s17] =	ssyncadd.s32 $0xFFFFC000  }
0x47: {  	[hbm4b:s21+s2] =	stream.linear.scatter [tilespmem:s13], [sflag:$0x3], $0x4000, $0x38;
	[tilespmem:$0x8800] =	vst v63  }
0x48: {  	_ =	swait.ge [sflag:s11], $0x4000  }
0x49: {  	s19 =	rddreg [dreg:$0x3];
	[sflag:s11] =	ssyncset.done $0x0  }
0x4a: {  	[sflag:s11] =	ssyncadd.s32 $0xFFFFC000;
	s19 =	sadd.s32 $0x0, s19  }
0x4b: {  	[tilespmem:s2], [sflag:$0x3] =	stream.linear.gather [hbm4b:s19+s2], $0x400, $0x38;
	[tilespmem:$0x8800] =	vst v63  }
0x4c: {  	_ =	swait.ge [sflag:s11], $0x400  }
0x4d: {  	[sflag:s11] =	ssyncset.done $0x0  }
0x4e: {  	[sflag:s11] =	ssyncadd.s32 $0xFFFFFC00  }
0x4f: {  	[tilespmem:s13], [sflag:$0x1] =	stream.indirect.gather [hbm4b:s3+s12], $0x10, s2, s12, $0xb8;
	[tilespmem:$0x8800] =	vst v63  }
0x50: {  	_ = 	snop  }
0x51: {  	[tilespmem:s30], [sflag:$0x1] =	stream.indirect.gather [hbm4b:s3+s12], $0x10, s12, s12, $0xb8;
	[tilespmem:$0x8800] =	vst v63  }
0x52: {  	s19 =	simm.s32 $0x100  }
0x53: {  	[tilespmem:s23], [sflag:$0x1] =	stream.indirect.gather [hbm4b:s3+s12], $0x10, s19, s12, $0xb8;
	[tilespmem:$0x8800] =	vst v63  }
0x54: {  	s19 =	simm.s32 $0x180;
	s23 =	simm.s32 $0x2000  }
0x55: {  	[tilespmem:s23], [sflag:$0x1] =	stream.indirect.gather [hbm4b:s3+s12], $0x10, s19, s12, $0xb8;
	[tilespmem:$0x8800] =	vst v63  }
0x56: {  	s23 =	simm.s32 $0x200  }
0x57: {  	[tilespmem:s10], [sflag:$0x1] =	stream.indirect.gather [hbm4b:s3+s12], $0x10, s23, s12, $0xb8;
	[tilespmem:$0x8800] =	vst v63  }
0x58: {  	s19 =	simm.s32 $0x280  }
0x59: {  	[tilespmem:s24], [sflag:$0x1] =	stream.indirect.gather [hbm4b:s3+s12], $0x10, s19, s12, $0xb8;
	[tilespmem:$0x8800] =	vst v63  }
0x5a: {  	s23 =	simm.s32 $0x300;
	s24 =	simm.s32 $0x3800  }
0x5b: {  	[tilespmem:s24], [sflag:$0x1] =	stream.indirect.gather [hbm4b:s3+s12], $0x10, s23, s12, $0xb8;
	[tilespmem:$0x8800] =	vst v63  }
0x5c: {  	_ = 	snop  }
0x5d: {  	[tilespmem:s22], [sflag:$0x1] =	stream.indirect.gather [hbm4b:s3+s12], $0x10, s20, s12, $0xb8;
	[tilespmem:$0x8800] =	vst v63  }
0x5e: {  	_ =	swait.ge [sflag:s18], $0x4000  }
0x5f: {  	[sflag:s18] =	ssyncset.done $0x0  }
0x60: {  	s30 =	simm.s32 $0x1800;
	s19 =	rddreg [dreg:$0xb];
	[sflag:s18] =	ssyncadd.s32 $0xFFFFC000  }
0x61: {  	[hbm4b:s19+s2] =	stream.linear.scatter [tilespmem:s29], [sflag:$0x3], $0x4000, $0x38;
	[tilespmem:$0x8800] =	vst v63  }
0x62: {  	s10 =	simm.s32 $0x4000;
	s20 =	simm.s32 $0x100;
	_ =	swait.ge [sflag:s11], $0x4000  }
0x63: {  	s22 =	simm.s32 $0x200;
	s23 =	rddreg [dreg:$0x4];
	[sflag:s11] =	ssyncset.done $0x0  }
.LBB2_2:
0x64: {  	[sflag:s11] =	ssyncadd.s32 $0xFFFFC000;
	s23 =	sadd.s32 s20, s23  }
0x65: {  	[tilespmem:s28], [sflag:$0x3] =	stream.linear.gather [hbm4b:s23+s2], $0x400, $0x38;
	[tilespmem:$0x8800] =	vst v63  }
0x66: {  	_ =	swait.ge [sflag:s11], $0x400  }
0x67: {  	[sflag:s11] =	ssyncset.done $0x0  }
0x68: {  	[sflag:s11] =	ssyncadd.s32 $0xFFFFFC00  }
0x69: {  	[tilespmem:s29], [sflag:$0x2] =	stream.indirect.gather [hbm4b:s3+s12], $0x10, s28, s12, $0xb8;
	[tilespmem:$0x8800] =	vst v63  }
0x6a: {  	_ = 	snop  }
0x6b: {  	[tilespmem:s15], [sflag:$0x2] =	stream.indirect.gather [hbm4b:s3+s12], $0x10, s14, s12, $0xb8;
	[tilespmem:$0x8800] =	vst v63  }
0x6c: {  	_ = 	snop  }
0x6d: {  	[tilespmem:s0], [sflag:$0x2] =	stream.indirect.gather [hbm4b:s3+s12], $0x10, s16, s12, $0xb8;
	[tilespmem:$0x8800] =	vst v63  }
0x6e: {  	_ = 	snop  }
0x6f: {  	[tilespmem:s7], [sflag:$0x2] =	stream.indirect.gather [hbm4b:s3+s12], $0x10, s5, s12, $0xb8;
	[tilespmem:$0x8800] =	vst v63  }
0x70: {  	_ = 	snop  }
0x71: {  	[tilespmem:s25], [sflag:$0x2] =	stream.indirect.gather [hbm4b:s3+s12], $0x10, s9, s12, $0xb8;
	[tilespmem:$0x8800] =	vst v63  }
0x72: {  	_ = 	snop  }
0x73: {  	[tilespmem:s31], [sflag:$0x2] =	stream.indirect.gather [hbm4b:s3+s12], $0x10, s26, s12, $0xb8;
	[tilespmem:$0x8800] =	vst v63  }
0x74: {  	_ = 	snop  }
0x75: {  	[tilespmem:s4], [sflag:$0x2] =	stream.indirect.gather [hbm4b:s3+s12], $0x10, s1, s12, $0xb8;
	[tilespmem:$0x8800] =	vst v63  }
0x76: {  	_ = 	snop  }
0x77: {  	[tilespmem:s8], [sflag:$0x2] =	stream.indirect.gather [hbm4b:s3+s12], $0x10, s6, s12, $0xb8;
	[tilespmem:$0x8800] =	vst v63  }
0x78: {  	_ =	swait.ge [sflag:s17], $0x4000  }
0x79: {  	[sflag:s17] =	ssyncset.done $0x0  }
0x7a: {  	s21 =	sadd.s32 $0x1000, s21;
	[sflag:s17] =	ssyncadd.s32 $0xFFFFC000  }
0x7b: {  	[hbm4b:s21+s2] =	stream.linear.scatter [tilespmem:s13], [sflag:$0x3], $0x4000, $0x38;
	[tilespmem:$0x8800] =	vst v63  }
0x7c: {  	_ =	swait.ge [sflag:s11], $0x4000  }
0x7d: {  	s23 =	rddreg [dreg:$0x3];
	[sflag:s11] =	ssyncset.done $0x0  }
0x7e: {  	[sflag:s11] =	ssyncadd.s32 $0xFFFFC000;
	s23 =	sadd.s32 s20, s23  }
0x7f: {  	[tilespmem:s2], [sflag:$0x3] =	stream.linear.gather [hbm4b:s23+s2], $0x400, $0x38;
	[tilespmem:$0x8800] =	vst v63  }
0x80: {  	_ =	swait.ge [sflag:s11], $0x400  }
0x81: {  	[sflag:s11] =	ssyncset.done $0x0  }
0x82: {  	s24 =	smov.u32 s22;
	[sflag:s11] =	ssyncadd.s32 $0xFFFFFC00  }
0x83: {  	[tilespmem:s13], [sflag:$0x1] =	stream.indirect.gather [hbm4b:s3+s12], $0x10, s2, s12, $0xb8;
	[tilespmem:$0x8800] =	vst v63  }
0x84: {  	s20 =	smov.u32 s24;
	s24 =	simm.s32 $0x1000  }
0x85: {  	[tilespmem:s24], [sflag:$0x1] =	stream.indirect.gather [hbm4b:s3+s12], $0x10, s12, s12, $0xb8;
	[tilespmem:$0x8800] =	vst v63  }
0x86: {  	s24 =	simm.s32 $0x100  }
0x87: {  	[tilespmem:s30], [sflag:$0x1] =	stream.indirect.gather [hbm4b:s3+s12], $0x10, s24, s12, $0xb8;
	[tilespmem:$0x8800] =	vst v63  }
0x88: {  	s23 =	simm.s32 $0x180;
	s24 =	simm.s32 $0x2000  }
0x89: {  	[tilespmem:s24], [sflag:$0x1] =	stream.indirect.gather [hbm4b:s3+s12], $0x10, s23, s12, $0xb8;
	[tilespmem:$0x8800] =	vst v63  }
0x8a: {  	s23 =	simm.s32 $0x200;
	s24 =	simm.s32 $0x2800  }
0x8b: {  	[tilespmem:s24], [sflag:$0x1] =	stream.indirect.gather [hbm4b:s3+s12], $0x10, s23, s12, $0xb8;
	[tilespmem:$0x8800] =	vst v63  }
0x8c: {  	s23 =	simm.s32 $0x280;
	s24 =	simm.s32 $0x3000  }
0x8d: {  	[tilespmem:s24], [sflag:$0x1] =	stream.indirect.gather [hbm4b:s3+s12], $0x10, s23, s12, $0xb8;
	[tilespmem:$0x8800] =	vst v63  }
0x8e: {  	s23 =	simm.s32 $0x300;
	s24 =	simm.s32 $0x3800  }
0x8f: {  	[tilespmem:s24], [sflag:$0x1] =	stream.indirect.gather [hbm4b:s3+s12], $0x10, s23, s12, $0xb8;
	[tilespmem:$0x8800] =	vst v63  }
0x90: {  	s24 =	simm.s32 $0x380  }
0x91: {  	[tilespmem:s10], [sflag:$0x1] =	stream.indirect.gather [hbm4b:s3+s12], $0x10, s24, s12, $0xb8;
	[tilespmem:$0x8800] =	vst v63  }
0x92: {  	p0 =	sne.s32 s22, $0xC00;
	_ =	swait.ge [sflag:s18], $0x4000  }
.Ltmp0:
0x93: {  	[sflag:s18] =	ssyncset.done $0x0;
	(pc) =	sbr.rel @p0 .LBB2_2-.Ltmp0, $4  }
0x94: {  	s19 =	sadd.s32 $0x1000, s19;
	[sflag:s18] =	ssyncadd.s32 $0xFFFFC000  }
0x95: {  	[hbm4b:s19+s2] =	stream.linear.scatter [tilespmem:s29], [sflag:$0x3], $0x4000, $0x38;
	[tilespmem:$0x8800] =	vst v63  }
0x96: {  	_ =	swait.ge [sflag:s11], $0x4000  }
0x97: {  	s22 =	sadd.s32 $0x100, s22;
	s23 =	rddreg [dreg:$0x4];
	[sflag:s11] =	ssyncset.done $0x0  }
0x98: {  	[sflag:s11] =	ssyncadd.s32 $0xFFFFC000;
	s22 =	sadd.s32 s20, s23  }
0x99: {  	[tilespmem:s28], [sflag:$0x3] =	stream.linear.gather [hbm4b:s22+s2], $0x400, $0x38;
	[tilespmem:$0x8800] =	vst v63  }
0x9a: {  	_ =	swait.ge [sflag:s11], $0x400  }
0x9b: {  	[sflag:s11] =	ssyncset.done $0x0  }
0x9c: {  	[sflag:s11] =	ssyncadd.s32 $0xFFFFFC00  }
0x9d: {  	[tilespmem:s29], [sflag:$0x2] =	stream.indirect.gather [hbm4b:s3+s12], $0x10, s28, s12, $0xb8;
	[tilespmem:$0x8800] =	vst v63  }
0x9e: {  	s16 =	simm.s32 $0x480;
	s23 =	simm.s32 $0x5000  }
0x9f: {  	[tilespmem:s23], [sflag:$0x2] =	stream.indirect.gather [hbm4b:s3+s12], $0x10, s16, s12, $0xb8;
	[tilespmem:$0x8800] =	vst v63  }
0xa0: {  	s5 =	simm.s32 $0x500;
	s22 =	simm.s32 $0x5800  }
0xa1: {  	[tilespmem:s22], [sflag:$0x2] =	stream.indirect.gather [hbm4b:s3+s12], $0x10, s5, s12, $0xb8;
	[tilespmem:$0x8800] =	vst v63  }
0xa2: {  	s4 =	simm.s32 $0x580;
	s24 =	simm.s32 $0x6000  }
0xa3: {  	[tilespmem:s24], [sflag:$0x2] =	stream.indirect.gather [hbm4b:s3+s12], $0x10, s4, s12, $0xb8;
	[tilespmem:$0x8800] =	vst v63  }
0xa4: {  	s6 =	simm.s32 $0x600;
	s26 =	simm.s32 $0x6800  }
0xa5: {  	[tilespmem:s26], [sflag:$0x2] =	stream.indirect.gather [hbm4b:s3+s12], $0x10, s6, s12, $0xb8;
	[tilespmem:$0x8800] =	vst v63  }
0xa6: {  	s8 =	simm.s32 $0x680;
	s0 =	simm.s32 $0x7000  }
0xa7: {  	[tilespmem:s0], [sflag:$0x2] =	stream.indirect.gather [hbm4b:s3+s12], $0x10, s8, s12, $0xb8;
	[tilespmem:$0x8800] =	vst v63  }
0xa8: {  	s25 =	simm.s32 $0x700;
	s1 =	simm.s32 $0x7800  }
0xa9: {  	[tilespmem:s1], [sflag:$0x2] =	stream.indirect.gather [hbm4b:s3+s12], $0x10, s25, s12, $0xb8;
	[tilespmem:$0x8800] =	vst v63  }
0xaa: {  	s7 =	simm.s32 $0x780;
	s9 =	simm.s32 $0x8000  }
0xab: {  	[tilespmem:s9], [sflag:$0x2] =	stream.indirect.gather [hbm4b:s3+s12], $0x10, s7, s12, $0xb8;
	[tilespmem:$0x8800] =	vst v63  }
0xac: {  	_ =	swait.ge [sflag:s17], $0x4000  }
0xad: {  	[sflag:s17] =	ssyncset.done $0x0  }
0xae: {  	s21 =	sadd.s32 $0x1000, s21;
	[sflag:s17] =	ssyncadd.s32 $0xFFFFC000  }
0xaf: {  	[hbm4b:s21+s2] =	stream.linear.scatter [tilespmem:s13], [sflag:$0x3], $0x4000, $0x38;
	[tilespmem:$0x8800] =	vst v63  }
0xb0: {  	_ =	swait.ge [sflag:s11], $0x4000  }
0xb1: {  	s14 =	rddreg [dreg:$0x3];
	[sflag:s11] =	ssyncset.done $0x0  }
0xb2: {  	s15 =	sadd.s32 s20, s14;
	[sflag:s11] =	ssyncadd.s32 $0xFFFFC000  }
0xb3: {  	[tilespmem:s2], [sflag:$0x3] =	stream.linear.gather [hbm4b:s15+s2], $0x400, $0x38;
	[tilespmem:$0x8800] =	vst v63  }
0xb4: {  	_ =	swait.ge [sflag:s11], $0x400  }
0xb5: {  	[sflag:s11] =	ssyncset.done $0x0  }
0xb6: {  	[sflag:s11] =	ssyncadd.s32 $0xFFFFFC00  }
0xb7: {  	[tilespmem:s13], [sflag:$0x1] =	stream.indirect.gather [hbm4b:s3+s12], $0x10, s2, s12, $0xb8;
	[tilespmem:$0x8800] =	vst v63  }
0xb8: {  	s21 =	simm.s32 $0x1000  }
0xb9: {  	[tilespmem:s21], [sflag:$0x1] =	stream.indirect.gather [hbm4b:s3+s12], $0x10, s12, s12, $0xb8;
	[tilespmem:$0x8800] =	vst v63  }
0xba: {  	s25 =	simm.s32 $0x100  }
0xbb: {  	[tilespmem:s30], [sflag:$0x1] =	stream.indirect.gather [hbm4b:s3+s12], $0x10, s25, s12, $0xb8;
	[tilespmem:$0x8800] =	vst v63  }
0xbc: {  	s1 =	simm.s32 $0x180;
	s7 =	simm.s32 $0x2000  }
0xbd: {  	[tilespmem:s7], [sflag:$0x1] =	stream.indirect.gather [hbm4b:s3+s12], $0x10, s1, s12, $0xb8;
	[tilespmem:$0x8800] =	vst v63  }
0xbe: {  	s9 =	simm.s32 $0x200;
	s14 =	simm.s32 $0x2800  }
0xbf: {  	[tilespmem:s14], [sflag:$0x1] =	stream.indirect.gather [hbm4b:s3+s12], $0x10, s9, s12, $0xb8;
	[tilespmem:$0x8800] =	vst v63  }
0xc0: {  	s20 =	simm.s32 $0x3000;
	s15 =	simm.s32 $0x280  }
0xc1: {  	[tilespmem:s20], [sflag:$0x1] =	stream.indirect.gather [hbm4b:s3+s12], $0x10, s15, s12, $0xb8;
	[tilespmem:$0x8800] =	vst v63  }
0xc2: {  	s21 =	simm.s32 $0x300;
	s25 =	simm.s32 $0x3800  }
0xc3: {  	[tilespmem:s25], [sflag:$0x1] =	stream.indirect.gather [hbm4b:s3+s12], $0x10, s21, s12, $0xb8;
	[tilespmem:$0x8800] =	vst v63  }
0xc4: {  	s30 =	simm.s32 $0x380  }
0xc5: {  	[tilespmem:s10], [sflag:$0x1] =	stream.indirect.gather [hbm4b:s3+s12], $0x10, s30, s12, $0xb8;
	[tilespmem:$0x8800] =	vst v63  }
0xc6: {  	_ =	swait.ge [sflag:s18], $0x4000  }
0xc7: {  	[sflag:s18] =	ssyncset.done $0x0  }
0xc8: {  	s19 =	sadd.s32 $0x1000, s19;
	[sflag:s18] =	ssyncadd.s32 $0xFFFFC000  }
0xc9: {  	[hbm4b:s19+s2] =	stream.linear.scatter [tilespmem:s29], [sflag:$0x3], $0x4000, $0x38;
	[tilespmem:$0x8800] =	vst v63  }
0xca: {  	_ =	swait.ge [sflag:s11], $0x4000  }
0xcb: {  	[sflag:s11] =	ssyncset.done $0x0  }
0xcc: {  	s1 =	rddreg [dreg:$0x6];
	[sflag:s11] =	ssyncadd.s32 $0xFFFFC000  }
0xcd: {  	[tilespmem:s28], [sflag:$0x3] =	stream.linear.gather [hbm4b:s1+s2], $0x400, $0x38;
	[tilespmem:$0x8800] =	vst v63  }
0xce: {  	_ =	swait.ge [sflag:s11], $0x400  }
0xcf: {  	[sflag:s11] =	ssyncset.done $0x0  }
0xd0: {  	[sflag:s11] =	ssyncadd.s32 $0xFFFFFC00  }
0xd1: {  	[tilespmem:s29], [sflag:$0x2] =	stream.indirect.gather [hbm4b:s3+s12], $0x10, s28, s12, $0xb8;
	[tilespmem:$0x8800] =	vst v63  }
0xd2: {  	_ = 	snop  }
0xd3: {  	[tilespmem:s23], [sflag:$0x2] =	stream.indirect.gather [hbm4b:s3+s12], $0x10, s16, s12, $0xb8;
	[tilespmem:$0x8800] =	vst v63  }
0xd4: {  	_ = 	snop  }
0xd5: {  	[tilespmem:s22], [sflag:$0x2] =	stream.indirect.gather [hbm4b:s3+s12], $0x10, s5, s12, $0xb8;
	[tilespmem:$0x8800] =	vst v63  }
0xd6: {  	_ = 	snop  }
0xd7: {  	[tilespmem:s24], [sflag:$0x2] =	stream.indirect.gather [hbm4b:s3+s12], $0x10, s4, s12, $0xb8;
	[tilespmem:$0x8800] =	vst v63  }
0xd8: {  	_ = 	snop  }
0xd9: {  	[tilespmem:s26], [sflag:$0x2] =	stream.indirect.gather [hbm4b:s3+s12], $0x10, s6, s12, $0xb8;
	[tilespmem:$0x8800] =	vst v63  }
0xda: {  	s6 =	simm.s32 $0x7000  }
0xdb: {  	[tilespmem:s6], [sflag:$0x2] =	stream.indirect.gather [hbm4b:s3+s12], $0x10, s8, s12, $0xb8;
	[tilespmem:$0x8800] =	vst v63  }
0xdc: {  	s10 =	simm.s32 $0x700;
	s19 =	simm.s32 $0x7800  }
0xdd: {  	[tilespmem:s19], [sflag:$0x2] =	stream.indirect.gather [hbm4b:s3+s12], $0x10, s10, s12, $0xb8;
	[tilespmem:$0x8800] =	vst v63  }
0xde: {  	s20 =	simm.s32 $0x780;
	s21 =	simm.s32 $0x8000  }
0xdf: {  	[tilespmem:s21], [sflag:$0x2] =	stream.indirect.gather [hbm4b:s3+s12], $0x10, s20, s12, $0xb8;
	[tilespmem:$0x8800] =	vst v63  }
0xe0: {  	_ =	swait.ge [sflag:s17], $0x4000  }
0xe1: {  	[sflag:s17] =	ssyncset.done $0x0  }
0xe2: {  	s22 =	rddreg [dreg:$0x7];
	[sflag:s17] =	ssyncadd.s32 $0xFFFFC000  }
0xe3: {  	[hbm4b:s22+s2] =	stream.linear.scatter [tilespmem:s13], [sflag:$0x3], $0x4000, $0x38;
	[tilespmem:$0x8800] =	vst v63  }
0xe4: {  	_ =	swait.ge [sflag:s11], $0x4000  }
0xe5: {  	[sflag:s11] =	ssyncset.done $0x0  }
0xe6: {  	[sflag:s11] =	ssyncadd.s32 $0xFFFFC000  }
0xe7: {  	_ =	swait.ge [sflag:s18], $0x4000  }
0xe8: {  	[sflag:s18] =	ssyncset.done $0x0  }
0xe9: {  	s23 =	rddreg [dreg:$0x8];
	[sflag:s18] =	ssyncadd.s32 $0xFFFFC000  }
0xea: {  	[hbm4b:s23+s2] =	stream.linear.scatter [tilespmem:s29], [sflag:$0x3], $0x4000, $0x38;
	[tilespmem:$0x8800] =	vst v63  }
0xeb: {  	_ =	swait.ge [sflag:s11], $0x4000  }
0xec: {  	s24 =	rddreg [dreg:$0xc]  }
0xed: {  	s30 =	rddreg [dreg:$0x9];
	s10 =	sadd.s32 $0x1, s24  }
0xee: {  	s31 =	simm.s32 $0x7000;
	s0 =	simm.s32 $0x5800;
	p0 =	sne.s32 s10, s30  }
.Ltmp1:
0xef: {  	s7 =	simm.s32 $0x6000;
	s14 =	simm.s32 $0x480;
	(pc) =	sbr.rel @p0 .LBB2_1-.Ltmp1, $4  }
0xf0: {  	s9 =	simm.s32 $0x600;
	s15 =	simm.s32 $0x5000;
	s25 =	simm.s32 $0x6800  }
0xf1: {  	s1 =	simm.s32 $0x700;
	s16 =	simm.s32 $0x500;
	s5 =	simm.s32 $0x580  }
0xf2: {  	s4 =	simm.s32 $0x7800;
	s26 =	simm.s32 $0x680;
	[sflag:s11] =	ssyncset.done $0x0  }
0xf3: {  	s6 =	simm.s32 $0x780;
	s8 =	simm.s32 $0x8000;
	[sflag:s11] =	ssyncadd.s32 $0xFFFFC000  }
0xf4: {  	_ =	sfence.sel $0x180000  }
0xf5: {  	[bflag:$0x0] =	sbarrier.arrive $0xFFFF  }
0xf6: {  	_ =	strace $0x90000047  }
0xf7: {  	s0 =	stileid.u32;
	[bflag:$0x2] =	sbarrier.arrive $0xFFFF  }
0xf8: {  	p0 =	sne.s32 s0, $0x0;
	s0 =	rddreg [dreg:$0x2]  }
0xf9: {  	s0 =	sadd.s32 @!p0 $0x100000, s0  }
0xfa: {  	[sflag:s0] =	ssyncadd.tile.s32 @!p0 $0x1;
	_ =	shalt  }
.Lfunc_end2:
_tile_overlayer_lowered:
.L_overlay_start_2:
0xfb: {  	(tag) =	ssettag $0x2  }
0xfc: {  	s0 =	rddreg [dreg:$0x0];
	s2 =	stileid.u32  }
0xfd: {  	s1 =	rddreg [dreg:$0x1];
	p0 =	sne.s32 s2, $0x0  }
0xfe: {  	s3 =	rddreg [dreg:$0x2];
	[bflag:$0x3] =	sbarrier.arrive $0xFFFF;
	s2 =	simm.s32 @!p0 $0x1C03  }
0xff: {  	[timem:s3], [sflag:s2] =	dma.local @!p0 [hbm:s0], s1  }
0x100: {  	s0 =	simm.s32 @!p0 $0x3  }
0x101: {  	_ =	swait.ge @!p0 [sflag:s0], s1  }
0x102: {  	s1 =	ssub.s32 @!p0 $0x0, s1;
	[sflag:s0] =	ssyncset.done @!p0 $0x0  }
0x103: {  	[sflag:s0] =	ssyncadd.s32 @!p0 s1  }
0x104: {  	[bflag:$0x3] =	sbarrier.arrive $0xFFFF  }
0x105: {  	_ =	shalt  }

</sc_bundles>
